<compile_context>
chip_gen: v7x
topology: tpu7x:2x2x1
jax: 0.10.2.dev20260603
libtpu: 0.0.44.dev20260713+nightly
codegen_flags: <defaults>
</compile_context>

<pallas_src>
import functools

import jax
import jax.numpy as jnp
from jax import lax
from jax.experimental import pallas as pl
from jax.experimental.pallas import tpu as pltpu
from jax.experimental.pallas import tpu_sc as plsc

N = 10000
E = 320000
G = 64
IN = 128
H = 16
OUT = 128

NCORES = 2
NSUB = 16
NW = NCORES * NSUB
CHUNK = 128
NCHUNK = 79
EPAD = NW * CHUNK * NCHUNK
ROWS_PER_TILE = 632
NPAD = NSUB * ROWS_PER_TILE

_mesh = plsc.VectorSubcoreMesh(core_axis_name="c", subcore_axis_name="s")
_f32 = jnp.float32


def _sc_scatter_ones(dst_hbm, ones_hbm, zeros_hbm, out_hbm, dst_v, ones_v, acc):
    c = lax.axis_index("c").astype(jnp.int32)
    s = lax.axis_index("s").astype(jnp.int32)
    wid = s * jnp.int32(NCORES) + c
    stripe = pl.ds(s * jnp.int32(ROWS_PER_TILE), ROWS_PER_TILE)
    pltpu.sync_copy(zeros_hbm.at[stripe], acc.at[stripe])
    pltpu.sync_copy(dst_hbm.at[wid], dst_v)
    pltpu.sync_copy(ones_hbm, ones_v)
    plsc.subcore_barrier()

    @pl.loop(jnp.int32(0), jnp.int32(NCHUNK))
    def _(j):
        pltpu.sync_copy(ones_v, acc.at[dst_v.at[j]], add=True)

    plsc.subcore_barrier()
    pltpu.sync_copy(acc.at[stripe], out_hbm.at[c].at[stripe])


def _sc_gather_scatter(xs_hbm, src_hbm, dst_hbm, zeros_hbm, out_hbm,
                       src_v, dst_v, row, acc):
    c = lax.axis_index("c").astype(jnp.int32)
    s = lax.axis_index("s").astype(jnp.int32)
    wid = s * jnp.int32(NCORES) + c
    stripe = pl.ds(s * jnp.int32(ROWS_PER_TILE), ROWS_PER_TILE)
    pltpu.sync_copy(zeros_hbm.at[stripe], acc.at[stripe])
    pltpu.sync_copy(src_hbm.at[wid], src_v)
    pltpu.sync_copy(dst_hbm.at[wid], dst_v)
    plsc.subcore_barrier()

    @pl.loop(jnp.int32(0), jnp.int32(NCHUNK))
    def _(j):
        pltpu.sync_copy(xs_hbm.at[src_v.at[j]], row)
        pltpu.sync_copy(row, acc.at[dst_v.at[j]], add=True)

    plsc.subcore_barrier()
    pltpu.sync_copy(acc.at[stripe], out_hbm.at[c].at[stripe])


LW = 128

_deg_kernel = pl.kernel(
    _sc_scatter_ones,
    out_type=jax.ShapeDtypeStruct((NCORES, NPAD, LW), _f32),
    mesh=_mesh,
    scratch_types=[
        pltpu.VMEM((NCHUNK, CHUNK), jnp.int32),
        pltpu.VMEM((CHUNK, LW), _f32),
        pltpu.VMEM_SHARED((NPAD, LW), _f32),
    ],
)

_agg_kernel = pl.kernel(
    _sc_gather_scatter,
    out_type=jax.ShapeDtypeStruct((NCORES, NPAD, LW), _f32),
    mesh=_mesh,
    scratch_types=[
        pltpu.VMEM((NCHUNK, CHUNK), jnp.int32),
        pltpu.VMEM((NCHUNK, CHUNK), jnp.int32),
        pltpu.VMEM((CHUNK, LW), _f32),
        pltpu.VMEM_SHARED((NPAD, LW), _f32),
    ],
)


def _tc_ln_matmul(x_ref, g_ref, b_ref, w1_ref, o_ref):
    x = x_ref[...]
    mu = jnp.mean(x, axis=1, keepdims=True)
    xc = x - mu
    var = jnp.mean(xc * xc, axis=1, keepdims=True)
    hn = xc * lax.rsqrt(var + 1e-5) * g_ref[...] + b_ref[...]
    o_ref[...] = jnp.dot(hn, w1_ref[...], preferred_element_type=_f32,
                         precision=lax.Precision.HIGHEST)


def _tc_scale(p0_ref, p1_ref, xw_ref, dinv_ref, xs_ref):
    deg = p0_ref[...] + p1_ref[...] + 1.0
    dinv = lax.rsqrt(deg)
    dinv_ref[...] = dinv
    xs_ref[...] = dinv * xw_ref[...]


def _tc_layer2(q0_ref, q1_ref, xs1_ref, dinv_ref, b1_ref, w2_ref, xs2_ref):
    dinv = dinv_ref[...]
    h1 = jnp.maximum(dinv * (q0_ref[...] + q1_ref[...] + xs1_ref[...])
                     + b1_ref[...], 0.0)
    xw2 = jnp.dot(h1, w2_ref[...], preferred_element_type=_f32,
                  precision=lax.Precision.HIGHEST)
    xs2_ref[...] = dinv * xw2


def _tc_head(r0_ref, r1_ref, xs2_ref, dinv_ref, b2_ref, batch_ref,
             wfc_ref, bfc_ref, o_ref):
    dinv = dinv_ref[...]
    h2 = jnp.maximum(dinv * (r0_ref[...] + r1_ref[...] + xs2_ref[...])
                     + b2_ref[...], 0.0)
    gids = lax.broadcasted_iota(jnp.int32, (G, N), 0)
    onehot = (gids == batch_ref[...]).astype(_f32)
    sums = jnp.dot(onehot, h2, preferred_element_type=_f32,
                   precision=lax.Precision.HIGHEST)
    cnts = jnp.sum(onehot, axis=1, keepdims=True)
    pooled = sums / jnp.maximum(cnts, 1.0)
    o_ref[...] = jnp.dot(pooled, wfc_ref[...], preferred_element_type=_f32,
                         precision=lax.Precision.HIGHEST) + bfc_ref[...]


def kernel(x, edge_index, batch, ln_gamma, ln_beta, W1, b1, W2, b2, Wfc, bfc):
    x = x.astype(_f32)
    src = edge_index[0].astype(jnp.int32)
    dst = edge_index[1].astype(jnp.int32)
    batch2d = batch.astype(jnp.int32).reshape(1, N)

    pad = EPAD - E
    srcp = jnp.concatenate([src, jnp.full((pad,), N, jnp.int32)])
    dstp = jnp.concatenate([dst, jnp.full((pad,), N, jnp.int32)])
    srcp = srcp.reshape(NW, NCHUNK, CHUNK)
    dstp = dstp.reshape(NW, NCHUNK, CHUNK)

    zeros_wide = jnp.zeros((NPAD, LW), _f32)
    ones_rows = jnp.ones((CHUNK, LW), _f32)

    degp = _deg_kernel(dstp, ones_rows, zeros_wide)

    xw1 = pl.pallas_call(
        _tc_ln_matmul,
        out_shape=jax.ShapeDtypeStruct((N, H), _f32),
    )(x, ln_gamma, ln_beta, W1)

    dinv16, xs1 = pl.pallas_call(
        _tc_scale,
        out_shape=(jax.ShapeDtypeStruct((N, H), _f32),
                   jax.ShapeDtypeStruct((N, H), _f32)),
    )(degp[0, :N, :H], degp[1, :N, :H], xw1)

    xs1_pad = jnp.pad(xs1, ((0, NPAD - N), (0, LW - H)))

    q = _agg_kernel(xs1_pad, srcp, dstp, zeros_wide)

    xs2 = pl.pallas_call(
        _tc_layer2,
        out_shape=jax.ShapeDtypeStruct((N, H), _f32),
    )(q[0, :N, :H], q[1, :N, :H], xs1, dinv16, b1, W2)

    xs2_pad = jnp.pad(xs2, ((0, NPAD - N), (0, LW - H)))

    r = _agg_kernel(xs2_pad, srcp, dstp, zeros_wide)

    out = pl.pallas_call(
        _tc_head,
        out_shape=jax.ShapeDtypeStruct((G, OUT), _f32),
    )(r[0, :N, :H], r[1, :N, :H], xs2, dinv16, b2, batch2d, Wfc, bfc)
    return out

# --- scband reference (transcript-rebuilt; emitter-appended) ---
"""Pipeline reference for scband-room-temperature-gnnmodule-13554916786410 (READ-ONLY COPY).

The authoritative reference and input builder live on the scoring server;
editing this copy changes nothing except your own understanding.
"""

import jax
jax.config.update('jax_enable_x64', True)
import jax.numpy as jnp
import numpy as np

N = 10000
E = 320000
G = 64
IN = 128
H = 16
OUT = 128


def setup_inputs(seed: int = 0) -> dict:
    key = jax.random.key(seed)
    ks = jax.random.split(key, 12)
    x = jax.random.normal(ks[0], (N, IN), dtype=jnp.float32)
    edge_index = jax.random.randint(ks[1], (2, E), 0, N, dtype=jnp.int64)
    batch = jnp.sort(jax.random.randint(ks[2], (N,), 0, G, dtype=jnp.int64))
    ln_gamma = jnp.ones((IN,), dtype=jnp.float32)
    ln_beta = jnp.zeros((IN,), dtype=jnp.float32)
    s1 = 1.0 / np.sqrt(IN)
    W1 = jax.random.uniform(ks[3], (IN, H), dtype=jnp.float32, minval=-s1, maxval=s1)
    b1 = jnp.zeros((H,), dtype=jnp.float32)
    s2 = 1.0 / np.sqrt(H)
    W2 = jax.random.uniform(ks[4], (H, H), dtype=jnp.float32, minval=-s2, maxval=s2)
    b2 = jnp.zeros((H,), dtype=jnp.float32)
    Wfc = jax.random.uniform(ks[5], (H, OUT), dtype=jnp.float32, minval=-s2, maxval=s2)
    bfc = jax.random.uniform(ks[6], (OUT,), dtype=jnp.float32, minval=-s2, maxval=s2)
    return {'x': x, 'edge_index': edge_index, 'batch': batch,
            'ln_gamma': ln_gamma, 'ln_beta': ln_beta,
            'W1': W1, 'b1': b1, 'W2': W2, 'b2': b2, 'Wfc': Wfc, 'bfc': bfc}


def _layer_norm(x, g, b, eps=1e-5):
    mu = jnp.mean(x, axis=-1, keepdims=True)
    var = jnp.mean((x - mu) ** 2, axis=-1, keepdims=True)
    return (x - mu) / jnp.sqrt(var + eps) * g + b


def _gcn_conv(x, edge_index, W, b, num_nodes):
    # GCNConv: x' = D^{-1/2} (A + I) D^{-1/2} X W + b
    loop = jnp.arange(num_nodes, dtype=edge_index.dtype)
    src = jnp.concatenate([edge_index[0], loop])
    dst = jnp.concatenate([edge_index[1], loop])
    deg = jnp.zeros((num_nodes,), dtype=x.dtype).at[dst].add(1.0)
    dinv = jnp.where(deg > 0, deg ** -0.5, 0.0)
    norm = dinv[src] * dinv[dst]
    xw = x @ W
    msg = jnp.take(xw, src, axis=0) * norm[:, None]
    out = jnp.zeros((num_nodes, xw.shape[1]), dtype=x.dtype).at[dst].add(msg)
    return out + b


def reference(x, edge_index, batch, ln_gamma, ln_beta, W1, b1, W2, b2, Wfc, bfc):
    h = _layer_norm(x, ln_gamma, ln_beta)
    h = jax.nn.relu(_gcn_conv(h, edge_index, W1, b1, N))
    h = jax.nn.relu(_gcn_conv(h, edge_index, W2, b2, N))
    sums = jax.ops.segment_sum(h, batch, num_segments=G)
    cnts = jax.ops.segment_sum(jnp.ones((N,), dtype=h.dtype), batch, num_segments=G)
    pooled = sums / jnp.clip(cnts, 1.0, None)[:, None]
    return pooled @ Wfc + bfc

if __name__ == "__main__":
    import jax
    _d = setup_inputs()
    print(jax.jit(kernel)(*tuple(_d.values())))

</pallas_src>

<mosaic_0001>
#map = affine_map<(d0, d1) -> (0, 0, 0)>
#map1 = affine_map<(d0, d1) -> (0, 0)>
module attributes {stable_mosaic.version = 14 : i64} {
  func.func @_sc_scatter_ones(%arg0: i32, %arg1: i32, %arg2: memref<32x79x128xi32, #tpu.memory_space<hbm>>, %arg3: memref<128x128xf32, #tpu.memory_space<hbm>>, %arg4: memref<10112x128xf32, #tpu.memory_space<hbm>>, %arg5: memref<2x10112x128xf32, #tpu.memory_space<hbm>>, %arg6: memref<79x128xi32, #tpu.memory_space<vmem>>, %arg7: memref<128x128xf32, #tpu.memory_space<vmem>>, %arg8: memref<10112x128xf32, #tpu.memory_space<vmem_shared>>) attributes {dimension_semantics = [#tpu.dimension_semantics<core_parallel>, #tpu.dimension_semantics<subcore_parallel>], iteration_bounds = array<i64: 2, 16>, scalar_prefetch = 0 : i64, scratch_operands = 3 : i64, tpu.core_type = #tpu.core_type<sc_vector_subcore>, window_params = [{transform_indices = #map}, {transform_indices = #map1}, {transform_indices = #map1}, {transform_indices = #map}]} {
    %mul3A = arith.constant 2 : i32
    %mul3A_0 = arith.muli %arg1, %mul3A : i32
    %add3A = arith.addi %mul3A_0, %arg0 : i32
    %mul3A_1 = arith.constant 632 : i32
    %mul3A_2 = arith.muli %arg1, %mul3A_1 : i32
    "tpu.region"() ({
      %run_scoped3A = tpu.sem_alloc : memref<!tpu.dma_semaphore, #tpu.memory_space<semaphore_mem>>
      %dma_start3A = arith.constant 0 : i32
      %dma_start3A_21 = tpu.memref_slice %arg8[%mul3A_2, %dma_start3A] : memref<10112x128xf32, #tpu.memory_space<vmem_shared>> -> memref<632x128xf32, #tpu.memory_space<vmem_shared>>
      %dma_start3A_22 = arith.constant 0 : i32
      %dma_start3A_23 = tpu.memref_slice %arg4[%mul3A_2, %dma_start3A_22] : memref<10112x128xf32, #tpu.memory_space<hbm>> -> memref<632x128xf32, #tpu.memory_space<hbm>>
      tpu.enqueue_dma source(%dma_start3A_23 : memref<632x128xf32, #tpu.memory_space<hbm>>) target(%dma_start3A_21 : memref<632x128xf32, #tpu.memory_space<vmem_shared>>) target_semaphore(%run_scoped3A : memref<!tpu.dma_semaphore, #tpu.memory_space<semaphore_mem>>)
      %dma_wait3A = arith.constant 0 : i32
      %dma_wait3A_24 = tpu.memref_slice %arg8[%mul3A_2, %dma_wait3A] : memref<10112x128xf32, #tpu.memory_space<vmem_shared>> -> memref<632x128xf32, #tpu.memory_space<vmem_shared>>
      %dma_wait3A_25 = arith.constant 0 : i32
      %dma_wait3A_26 = tpu.memref_slice %arg4[%mul3A_2, %dma_wait3A_25] : memref<10112x128xf32, #tpu.memory_space<hbm>> -> memref<632x128xf32, #tpu.memory_space<hbm>>
      tpu.wait_dma2 semaphore(%run_scoped3A : memref<!tpu.dma_semaphore, #tpu.memory_space<semaphore_mem>>) src(%dma_wait3A_26 : memref<632x128xf32, #tpu.memory_space<hbm>>) dst(%dma_wait3A_24 : memref<632x128xf32, #tpu.memory_space<vmem_shared>>)
      tpu.yield
    }) : () -> ()
    "tpu.region"() ({
      %run_scoped3A = tpu.sem_alloc : memref<!tpu.dma_semaphore, #tpu.memory_space<semaphore_mem>>
      %dma_start3A = arith.constant 0 : i32
      %dma_start3A_21 = arith.constant 0 : i32
      %dma_start3A_22 = tpu.memref_slice %arg2[%add3A, %dma_start3A, %dma_start3A_21] : memref<32x79x128xi32, #tpu.memory_space<hbm>> -> memref<1x79x128xi32, #tpu.memory_space<hbm>>
      %dma_start3A_23 = tpu.memref_squeeze %dma_start3A_22 : memref<1x79x128xi32, #tpu.memory_space<hbm>> -> memref<79x128xi32, #tpu.memory_space<hbm>>
      %dma_start3A_24 = arith.constant 0 : i32
      %dma_start3A_25 = arith.constant 0 : i32
      %dma_start3A_26 = tpu.memref_slice %arg2[%add3A, %dma_start3A_24, %dma_start3A_25] : memref<32x79x128xi32, #tpu.memory_space<hbm>> -> memref<1x79x128xi32, #tpu.memory_space<hbm>>
      %dma_start3A_27 = tpu.memref_squeeze %dma_start3A_26 : memref<1x79x128xi32, #tpu.memory_space<hbm>> -> memref<79x128xi32, #tpu.memory_space<hbm>>
      tpu.enqueue_dma source(%dma_start3A_27 : memref<79x128xi32, #tpu.memory_space<hbm>>) target(%arg6 : memref<79x128xi32, #tpu.memory_space<vmem>>) target_semaphore(%run_scoped3A : memref<!tpu.dma_semaphore, #tpu.memory_space<semaphore_mem>>)
      %dma_wait3A = arith.constant 0 : i32
      %dma_wait3A_28 = arith.constant 0 : i32
      %dma_wait3A_29 = tpu.memref_slice %arg2[%add3A, %dma_wait3A, %dma_wait3A_28] : memref<32x79x128xi32, #tpu.memory_space<hbm>> -> memref<1x79x128xi32, #tpu.memory_space<hbm>>
      %dma_wait3A_30 = tpu.memref_squeeze %dma_wait3A_29 : memref<1x79x128xi32, #tpu.memory_space<hbm>> -> memref<79x128xi32, #tpu.memory_space<hbm>>
      %dma_wait3A_31 = arith.constant 0 : i32
      %dma_wait3A_32 = arith.constant 0 : i32
      %dma_wait3A_33 = tpu.memref_slice %arg2[%add3A, %dma_wait3A_31, %dma_wait3A_32] : memref<32x79x128xi32, #tpu.memory_space<hbm>> -> memref<1x79x128xi32, #tpu.memory_space<hbm>>
      %dma_wait3A_34 = tpu.memref_squeeze %dma_wait3A_33 : memref<1x79x128xi32, #tpu.memory_space<hbm>> -> memref<79x128xi32, #tpu.memory_space<hbm>>
      tpu.wait_dma2 semaphore(%run_scoped3A : memref<!tpu.dma_semaphore, #tpu.memory_space<semaphore_mem>>) src(%dma_wait3A_34 : memref<79x128xi32, #tpu.memory_space<hbm>>) dst(%arg6 : memref<79x128xi32, #tpu.memory_space<vmem>>)
      tpu.yield
    }) : () -> ()
    "tpu.region"() ({
      %run_scoped3A = tpu.sem_alloc : memref<!tpu.dma_semaphore, #tpu.memory_space<semaphore_mem>>
      tpu.enqueue_dma source(%arg3 : memref<128x128xf32, #tpu.memory_space<hbm>>) target(%arg7 : memref<128x128xf32, #tpu.memory_space<vmem>>) target_semaphore(%run_scoped3A : memref<!tpu.dma_semaphore, #tpu.memory_space<semaphore_mem>>)
      tpu.wait_dma2 semaphore(%run_scoped3A : memref<!tpu.dma_semaphore, #tpu.memory_space<semaphore_mem>>) src(%arg3 : memref<128x128xf32, #tpu.memory_space<hbm>>) dst(%arg7 : memref<128x128xf32, #tpu.memory_space<vmem>>)
      tpu.yield
    }) : () -> ()
    %barrier3A = arith.constant 0 : index
    tpu.barrier barrier_id(%barrier3A)
    %sub3A = arith.constant 79 : i32
    %sub3A_3 = arith.constant 0 : i32
    %sub3A_4 = arith.subi %sub3A, %sub3A_3 : i32
    %sub3A_5 = arith.constant 1 : i32
    %sub3A_6 = arith.constant 1 : i32
    %sub3A_7 = arith.subi %sub3A_5, %sub3A_6 : i32
    %add3A_8 = arith.addi %sub3A_4, %sub3A_7 : i32
    %div3A = arith.constant 1 : i32
    %div3A_9 = arith.divsi %add3A_8, %div3A : i32
    %while3A = arith.constant 1 : i32
    %while3A_10 = arith.constant 0 : i32
    %while3A_11 = arith.constant 0 : i32
    %while3A_12 = arith.subi %div3A_9, %while3A_11 : i32
    %while3A_13 = arith.addi %while3A_11, %while3A_12 : i32
    %while3A_14 = arith.constant 1 : i32
    %while3A_15 = arith.divsi %while3A_12, %while3A_14 : i32
    %while3A_16 = arith.muli %while3A_15, %while3A_14 : i32
    %while3A_17 = arith.addi %while3A_11, %while3A_16 : i32
    %while3A_18 = arith.constant 1 : i32
    scf.for %while3A_21 = %while3A_11 to %while3A_17 step %while3A_18  : i32 {
      %mul3A_22 = arith.muli %while3A_21, %while3A : i32
      %add3A_23 = arith.addi %while3A_10, %mul3A_22 : i32
      "tpu.region"() ({
        %run_scoped3A = tpu.sem_alloc : memref<!tpu.dma_semaphore, #tpu.memory_space<semaphore_mem>>
        %dma_start3A = arith.constant 0 : i32
        %dma_start3A_24 = tpu.memref_slice %arg6[%add3A_23, %dma_start3A] : memref<79x128xi32, #tpu.memory_space<vmem>> -> memref<1x128xi32, #tpu.memory_space<vmem>>
        %dma_start3A_25 = tpu.memref_squeeze %dma_start3A_24 : memref<1x128xi32, #tpu.memory_space<vmem>> -> memref<128xi32, #tpu.memory_space<vmem>>
        %dma_start3A_26 = arith.constant 0 : i32
        %dma_start3A_27 = arith.constant 0 : i32
        %dma_start3A_28 = tpu.memref_slice %arg8[%dma_start3A_26, %dma_start3A_27] : memref<10112x128xf32, #tpu.memory_space<vmem_shared>> -> memref<10112x128xf32, #tpu.memory_space<vmem_shared>>
        tpu.enqueue_indirect_dma source(%arg7 : memref<128x128xf32, #tpu.memory_space<vmem>>) target(%dma_start3A_28 : memref<10112x128xf32, #tpu.memory_space<vmem_shared>>) offsets(%dma_start3A_25 : memref<128xi32, #tpu.memory_space<vmem>>) semaphore(%run_scoped3A : memref<!tpu.dma_semaphore, #tpu.memory_space<semaphore_mem>>) {add = true}
        %dma_wait3A = arith.constant 0 : i32
        %dma_wait3A_29 = tpu.memref_slice %arg6[%add3A_23, %dma_wait3A] : memref<79x128xi32, #tpu.memory_space<vmem>> -> memref<1x128xi32, #tpu.memory_space<vmem>>
        %dma_wait3A_30 = tpu.memref_squeeze %dma_wait3A_29 : memref<1x128xi32, #tpu.memory_space<vmem>> -> memref<128xi32, #tpu.memory_space<vmem>>
        %dma_wait3A_31 = arith.constant 0 : i32
        %dma_wait3A_32 = arith.constant 0 : i32
        %dma_wait3A_33 = tpu.memref_slice %arg8[%dma_wait3A_31, %dma_wait3A_32] : memref<10112x128xf32, #tpu.memory_space<vmem_shared>> -> memref<10112x128xf32, #tpu.memory_space<vmem_shared>>
        tpu.wait_indirect_dma semaphore(%run_scoped3A : memref<!tpu.dma_semaphore, #tpu.memory_space<semaphore_mem>>) src(%arg7 : memref<128x128xf32, #tpu.memory_space<vmem>>) dst(%dma_wait3A_33 : memref<10112x128xf32, #tpu.memory_space<vmem_shared>>)
        tpu.yield
      }) : () -> ()
    }
    %while3A_19 = arith.constant 1 : i32
    scf.for %while3A_21 = %while3A_17 to %while3A_13 step %while3A_19  : i32 {
      %mul3A_22 = arith.muli %while3A_21, %while3A : i32
      %add3A_23 = arith.addi %while3A_10, %mul3A_22 : i32
      "tpu.region"() ({
        %run_scoped3A = tpu.sem_alloc : memref<!tpu.dma_semaphore, #tpu.memory_space<semaphore_mem>>
        %dma_start3A = arith.constant 0 : i32
        %dma_start3A_24 = tpu.memref_slice %arg6[%add3A_23, %dma_start3A] : memref<79x128xi32, #tpu.memory_space<vmem>> -> memref<1x128xi32, #tpu.memory_space<vmem>>
        %dma_start3A_25 = tpu.memref_squeeze %dma_start3A_24 : memref<1x128xi32, #tpu.memory_space<vmem>> -> memref<128xi32, #tpu.memory_space<vmem>>
        %dma_start3A_26 = arith.constant 0 : i32
        %dma_start3A_27 = arith.constant 0 : i32
        %dma_start3A_28 = tpu.memref_slice %arg8[%dma_start3A_26, %dma_start3A_27] : memref<10112x128xf32, #tpu.memory_space<vmem_shared>> -> memref<10112x128xf32, #tpu.memory_space<vmem_shared>>
        tpu.enqueue_indirect_dma source(%arg7 : memref<128x128xf32, #tpu.memory_space<vmem>>) target(%dma_start3A_28 : memref<10112x128xf32, #tpu.memory_space<vmem_shared>>) offsets(%dma_start3A_25 : memref<128xi32, #tpu.memory_space<vmem>>) semaphore(%run_scoped3A : memref<!tpu.dma_semaphore, #tpu.memory_space<semaphore_mem>>) {add = true}
        %dma_wait3A = arith.constant 0 : i32
        %dma_wait3A_29 = tpu.memref_slice %arg6[%add3A_23, %dma_wait3A] : memref<79x128xi32, #tpu.memory_space<vmem>> -> memref<1x128xi32, #tpu.memory_space<vmem>>
        %dma_wait3A_30 = tpu.memref_squeeze %dma_wait3A_29 : memref<1x128xi32, #tpu.memory_space<vmem>> -> memref<128xi32, #tpu.memory_space<vmem>>
        %dma_wait3A_31 = arith.constant 0 : i32
        %dma_wait3A_32 = arith.constant 0 : i32
        %dma_wait3A_33 = tpu.memref_slice %arg8[%dma_wait3A_31, %dma_wait3A_32] : memref<10112x128xf32, #tpu.memory_space<vmem_shared>> -> memref<10112x128xf32, #tpu.memory_space<vmem_shared>>
        tpu.wait_indirect_dma semaphore(%run_scoped3A : memref<!tpu.dma_semaphore, #tpu.memory_space<semaphore_mem>>) src(%arg7 : memref<128x128xf32, #tpu.memory_space<vmem>>) dst(%dma_wait3A_33 : memref<10112x128xf32, #tpu.memory_space<vmem_shared>>)
        tpu.yield
      }) : () -> ()
    }
    %barrier3A_20 = arith.constant 0 : index
    tpu.barrier barrier_id(%barrier3A_20)
    "tpu.region"() ({
      %run_scoped3A = tpu.sem_alloc : memref<!tpu.dma_semaphore, #tpu.memory_space<semaphore_mem>>
      %dma_start3A = arith.constant 0 : i32
      %dma_start3A_21 = arith.constant 0 : i32
      %dma_start3A_22 = tpu.memref_slice %arg5[%arg0, %dma_start3A, %dma_start3A_21] : memref<2x10112x128xf32, #tpu.memory_space<hbm>> -> memref<1x10112x128xf32, #tpu.memory_space<hbm>>
      %dma_start3A_23 = tpu.memref_squeeze %dma_start3A_22 : memref<1x10112x128xf32, #tpu.memory_space<hbm>> -> memref<10112x128xf32, #tpu.memory_space<hbm>>
      %dma_start3A_24 = arith.constant 0 : i32
      %dma_start3A_25 = tpu.memref_slice %dma_start3A_23[%mul3A_2, %dma_start3A_24] : memref<10112x128xf32, #tpu.memory_space<hbm>> -> memref<632x128xf32, #tpu.memory_space<hbm>>
      %dma_start3A_26 = arith.constant 0 : i32
      %dma_start3A_27 = tpu.memref_slice %arg8[%mul3A_2, %dma_start3A_26] : memref<10112x128xf32, #tpu.memory_space<vmem_shared>> -> memref<632x128xf32, #tpu.memory_space<vmem_shared>>
      tpu.enqueue_dma source(%dma_start3A_27 : memref<632x128xf32, #tpu.memory_space<vmem_shared>>) target(%dma_start3A_25 : memref<632x128xf32, #tpu.memory_space<hbm>>) target_semaphore(%run_scoped3A : memref<!tpu.dma_semaphore, #tpu.memory_space<semaphore_mem>>)
      %dma_wait3A = arith.constant 0 : i32
      %dma_wait3A_28 = arith.constant 0 : i32
      %dma_wait3A_29 = tpu.memref_slice %arg5[%arg0, %dma_wait3A, %dma_wait3A_28] : memref<2x10112x128xf32, #tpu.memory_space<hbm>> -> memref<1x10112x128xf32, #tpu.memory_space<hbm>>
      %dma_wait3A_30 = tpu.memref_squeeze %dma_wait3A_29 : memref<1x10112x128xf32, #tpu.memory_space<hbm>> -> memref<10112x128xf32, #tpu.memory_space<hbm>>
      %dma_wait3A_31 = arith.constant 0 : i32
      %dma_wait3A_32 = tpu.memref_slice %dma_wait3A_30[%mul3A_2, %dma_wait3A_31] : memref<10112x128xf32, #tpu.memory_space<hbm>> -> memref<632x128xf32, #tpu.memory_space<hbm>>
      %dma_wait3A_33 = arith.constant 0 : i32
      %dma_wait3A_34 = tpu.memref_slice %arg8[%mul3A_2, %dma_wait3A_33] : memref<10112x128xf32, #tpu.memory_space<vmem_shared>> -> memref<632x128xf32, #tpu.memory_space<vmem_shared>>
      tpu.wait_dma2 semaphore(%run_scoped3A : memref<!tpu.dma_semaphore, #tpu.memory_space<semaphore_mem>>) src(%dma_wait3A_34 : memref<632x128xf32, #tpu.memory_space<vmem_shared>>) dst(%dma_wait3A_32 : memref<632x128xf32, #tpu.memory_space<hbm>>)
      tpu.yield
    }) : () -> ()
    return
  }
}

#map = affine_map<(d0, d1) -> (0, 0)>
#map1 = affine_map<(d0, d1) -> (0, 0, 0)>
module attributes {stable_mosaic.version = 14 : i64} {
  func.func @_sc_gather_scatter(%arg0: i32, %arg1: i32, %arg2: memref<10112x128xf32, #tpu.memory_space<hbm>>, %arg3: memref<32x79x128xi32, #tpu.memory_space<hbm>>, %arg4: memref<32x79x128xi32, #tpu.memory_space<hbm>>, %arg5: memref<10112x128xf32, #tpu.memory_space<hbm>>, %arg6: memref<2x10112x128xf32, #tpu.memory_space<hbm>>, %arg7: memref<79x128xi32, #tpu.memory_space<vmem>>, %arg8: memref<79x128xi32, #tpu.memory_space<vmem>>, %arg9: memref<128x128xf32, #tpu.memory_space<vmem>>, %arg10: memref<10112x128xf32, #tpu.memory_space<vmem_shared>>) attributes {dimension_semantics = [#tpu.dimension_semantics<core_parallel>, #tpu.dimension_semantics<subcore_parallel>], iteration_bounds = array<i64: 2, 16>, scalar_prefetch = 0 : i64, scratch_operands = 4 : i64, tpu.core_type = #tpu.core_type<sc_vector_subcore>, window_params = [{transform_indices = #map}, {transform_indices = #map1}, {transform_indices = #map1}, {transform_indices = #map}, {transform_indices = #map1}]} {
    %mul3A = arith.constant 2 : i32
    %mul3A_0 = arith.muli %arg1, %mul3A : i32
    %add3A = arith.addi %mul3A_0, %arg0 : i32
    %mul3A_1 = arith.constant 632 : i32
    %mul3A_2 = arith.muli %arg1, %mul3A_1 : i32
    "tpu.region"() ({
      %run_scoped3A = tpu.sem_alloc : memref<!tpu.dma_semaphore, #tpu.memory_space<semaphore_mem>>
      %dma_start3A = arith.constant 0 : i32
      %dma_start3A_21 = tpu.memref_slice %arg10[%mul3A_2, %dma_start3A] : memref<10112x128xf32, #tpu.memory_space<vmem_shared>> -> memref<632x128xf32, #tpu.memory_space<vmem_shared>>
      %dma_start3A_22 = arith.constant 0 : i32
      %dma_start3A_23 = tpu.memref_slice %arg5[%mul3A_2, %dma_start3A_22] : memref<10112x128xf32, #tpu.memory_space<hbm>> -> memref<632x128xf32, #tpu.memory_space<hbm>>
      tpu.enqueue_dma source(%dma_start3A_23 : memref<632x128xf32, #tpu.memory_space<hbm>>) target(%dma_start3A_21 : memref<632x128xf32, #tpu.memory_space<vmem_shared>>) target_semaphore(%run_scoped3A : memref<!tpu.dma_semaphore, #tpu.memory_space<semaphore_mem>>)
      %dma_wait3A = arith.constant 0 : i32
      %dma_wait3A_24 = tpu.memref_slice %arg10[%mul3A_2, %dma_wait3A] : memref<10112x128xf32, #tpu.memory_space<vmem_shared>> -> memref<632x128xf32, #tpu.memory_space<vmem_shared>>
      %dma_wait3A_25 = arith.constant 0 : i32
      %dma_wait3A_26 = tpu.memref_slice %arg5[%mul3A_2, %dma_wait3A_25] : memref<10112x128xf32, #tpu.memory_space<hbm>> -> memref<632x128xf32, #tpu.memory_space<hbm>>
      tpu.wait_dma2 semaphore(%run_scoped3A : memref<!tpu.dma_semaphore, #tpu.memory_space<semaphore_mem>>) src(%dma_wait3A_26 : memref<632x128xf32, #tpu.memory_space<hbm>>) dst(%dma_wait3A_24 : memref<632x128xf32, #tpu.memory_space<vmem_shared>>)
      tpu.yield
    }) : () -> ()
    "tpu.region"() ({
      %run_scoped3A = tpu.sem_alloc : memref<!tpu.dma_semaphore, #tpu.memory_space<semaphore_mem>>
      %dma_start3A = arith.constant 0 : i32
      %dma_start3A_21 = arith.constant 0 : i32
      %dma_start3A_22 = tpu.memref_slice %arg3[%add3A, %dma_start3A, %dma_start3A_21] : memref<32x79x128xi32, #tpu.memory_space<hbm>> -> memref<1x79x128xi32, #tpu.memory_space<hbm>>
      %dma_start3A_23 = tpu.memref_squeeze %dma_start3A_22 : memref<1x79x128xi32, #tpu.memory_space<hbm>> -> memref<79x128xi32, #tpu.memory_space<hbm>>
      %dma_start3A_24 = arith.constant 0 : i32
      %dma_start3A_25 = arith.constant 0 : i32
      %dma_start3A_26 = tpu.memref_slice %arg3[%add3A, %dma_start3A_24, %dma_start3A_25] : memref<32x79x128xi32, #tpu.memory_space<hbm>> -> memref<1x79x128xi32, #tpu.memory_space<hbm>>
      %dma_start3A_27 = tpu.memref_squeeze %dma_start3A_26 : memref<1x79x128xi32, #tpu.memory_space<hbm>> -> memref<79x128xi32, #tpu.memory_space<hbm>>
      tpu.enqueue_dma source(%dma_start3A_27 : memref<79x128xi32, #tpu.memory_space<hbm>>) target(%arg7 : memref<79x128xi32, #tpu.memory_space<vmem>>) target_semaphore(%run_scoped3A : memref<!tpu.dma_semaphore, #tpu.memory_space<semaphore_mem>>)
      %dma_wait3A = arith.constant 0 : i32
      %dma_wait3A_28 = arith.constant 0 : i32
      %dma_wait3A_29 = tpu.memref_slice %arg3[%add3A, %dma_wait3A, %dma_wait3A_28] : memref<32x79x128xi32, #tpu.memory_space<hbm>> -> memref<1x79x128xi32, #tpu.memory_space<hbm>>
      %dma_wait3A_30 = tpu.memref_squeeze %dma_wait3A_29 : memref<1x79x128xi32, #tpu.memory_space<hbm>> -> memref<79x128xi32, #tpu.memory_space<hbm>>
      %dma_wait3A_31 = arith.constant 0 : i32
      %dma_wait3A_32 = arith.constant 0 : i32
      %dma_wait3A_33 = tpu.memref_slice %arg3[%add3A, %dma_wait3A_31, %dma_wait3A_32] : memref<32x79x128xi32, #tpu.memory_space<hbm>> -> memref<1x79x128xi32, #tpu.memory_space<hbm>>
      %dma_wait3A_34 = tpu.memref_squeeze %dma_wait3A_33 : memref<1x79x128xi32, #tpu.memory_space<hbm>> -> memref<79x128xi32, #tpu.memory_space<hbm>>
      tpu.wait_dma2 semaphore(%run_scoped3A : memref<!tpu.dma_semaphore, #tpu.memory_space<semaphore_mem>>) src(%dma_wait3A_34 : memref<79x128xi32, #tpu.memory_space<hbm>>) dst(%arg7 : memref<79x128xi32, #tpu.memory_space<vmem>>)
      tpu.yield
    }) : () -> ()
    "tpu.region"() ({
      %run_scoped3A = tpu.sem_alloc : memref<!tpu.dma_semaphore, #tpu.memory_space<semaphore_mem>>
      %dma_start3A = arith.constant 0 : i32
      %dma_start3A_21 = arith.constant 0 : i32
      %dma_start3A_22 = tpu.memref_slice %arg4[%add3A, %dma_start3A, %dma_start3A_21] : memref<32x79x128xi32, #tpu.memory_space<hbm>> -> memref<1x79x128xi32, #tpu.memory_space<hbm>>
      %dma_start3A_23 = tpu.memref_squeeze %dma_start3A_22 : memref<1x79x128xi32, #tpu.memory_space<hbm>> -> memref<79x128xi32, #tpu.memory_space<hbm>>
      %dma_start3A_24 = arith.constant 0 : i32
      %dma_start3A_25 = arith.constant 0 : i32
      %dma_start3A_26 = tpu.memref_slice %arg4[%add3A, %dma_start3A_24, %dma_start3A_25] : memref<32x79x128xi32, #tpu.memory_space<hbm>> -> memref<1x79x128xi32, #tpu.memory_space<hbm>>
      %dma_start3A_27 = tpu.memref_squeeze %dma_start3A_26 : memref<1x79x128xi32, #tpu.memory_space<hbm>> -> memref<79x128xi32, #tpu.memory_space<hbm>>
      tpu.enqueue_dma source(%dma_start3A_27 : memref<79x128xi32, #tpu.memory_space<hbm>>) target(%arg8 : memref<79x128xi32, #tpu.memory_space<vmem>>) target_semaphore(%run_scoped3A : memref<!tpu.dma_semaphore, #tpu.memory_space<semaphore_mem>>)
      %dma_wait3A = arith.constant 0 : i32
      %dma_wait3A_28 = arith.constant 0 : i32
      %dma_wait3A_29 = tpu.memref_slice %arg4[%add3A, %dma_wait3A, %dma_wait3A_28] : memref<32x79x128xi32, #tpu.memory_space<hbm>> -> memref<1x79x128xi32, #tpu.memory_space<hbm>>
      %dma_wait3A_30 = tpu.memref_squeeze %dma_wait3A_29 : memref<1x79x128xi32, #tpu.memory_space<hbm>> -> memref<79x128xi32, #tpu.memory_space<hbm>>
      %dma_wait3A_31 = arith.constant 0 : i32
      %dma_wait3A_32 = arith.constant 0 : i32
      %dma_wait3A_33 = tpu.memref_slice %arg4[%add3A, %dma_wait3A_31, %dma_wait3A_32] : memref<32x79x128xi32, #tpu.memory_space<hbm>> -> memref<1x79x128xi32, #tpu.memory_space<hbm>>
      %dma_wait3A_34 = tpu.memref_squeeze %dma_wait3A_33 : memref<1x79x128xi32, #tpu.memory_space<hbm>> -> memref<79x128xi32, #tpu.memory_space<hbm>>
      tpu.wait_dma2 semaphore(%run_scoped3A : memref<!tpu.dma_semaphore, #tpu.memory_space<semaphore_mem>>) src(%dma_wait3A_34 : memref<79x128xi32, #tpu.memory_space<hbm>>) dst(%arg8 : memref<79x128xi32, #tpu.memory_space<vmem>>)
      tpu.yield
    }) : () -> ()
    %barrier3A = arith.constant 0 : index
    tpu.barrier barrier_id(%barrier3A)
    %sub3A = arith.constant 79 : i32
    %sub3A_3 = arith.constant 0 : i32
    %sub3A_4 = arith.subi %sub3A, %sub3A_3 : i32
    %sub3A_5 = arith.constant 1 : i32
    %sub3A_6 = arith.constant 1 : i32
    %sub3A_7 = arith.subi %sub3A_5, %sub3A_6 : i32
    %add3A_8 = arith.addi %sub3A_4, %sub3A_7 : i32
    %div3A = arith.constant 1 : i32
    %div3A_9 = arith.divsi %add3A_8, %div3A : i32
    %while3A = arith.constant 1 : i32
    %while3A_10 = arith.constant 0 : i32
    %while3A_11 = arith.constant 0 : i32
    %while3A_12 = arith.subi %div3A_9, %while3A_11 : i32
    %while3A_13 = arith.addi %while3A_11, %while3A_12 : i32
    %while3A_14 = arith.constant 1 : i32
    %while3A_15 = arith.divsi %while3A_12, %while3A_14 : i32
    %while3A_16 = arith.muli %while3A_15, %while3A_14 : i32
    %while3A_17 = arith.addi %while3A_11, %while3A_16 : i32
    %while3A_18 = arith.constant 1 : i32
    scf.for %while3A_21 = %while3A_11 to %while3A_17 step %while3A_18  : i32 {
      %mul3A_22 = arith.muli %while3A_21, %while3A : i32
      %add3A_23 = arith.addi %while3A_10, %mul3A_22 : i32
      "tpu.region"() ({
        %run_scoped3A = tpu.sem_alloc : memref<!tpu.dma_semaphore, #tpu.memory_space<semaphore_mem>>
        %dma_start3A = arith.constant 0 : i32
        %dma_start3A_24 = tpu.memref_slice %arg7[%add3A_23, %dma_start3A] : memref<79x128xi32, #tpu.memory_space<vmem>> -> memref<1x128xi32, #tpu.memory_space<vmem>>
        %dma_start3A_25 = tpu.memref_squeeze %dma_start3A_24 : memref<1x128xi32, #tpu.memory_space<vmem>> -> memref<128xi32, #tpu.memory_space<vmem>>
        %dma_start3A_26 = arith.constant 0 : i32
        %dma_start3A_27 = arith.constant 0 : i32
        %dma_start3A_28 = tpu.memref_slice %arg2[%dma_start3A_26, %dma_start3A_27] : memref<10112x128xf32, #tpu.memory_space<hbm>> -> memref<10112x128xf32, #tpu.memory_space<hbm>>
        tpu.enqueue_indirect_dma source(%dma_start3A_28 : memref<10112x128xf32, #tpu.memory_space<hbm>>) target(%arg9 : memref<128x128xf32, #tpu.memory_space<vmem>>) offsets(%dma_start3A_25 : memref<128xi32, #tpu.memory_space<vmem>>) semaphore(%run_scoped3A : memref<!tpu.dma_semaphore, #tpu.memory_space<semaphore_mem>>)
        %dma_wait3A = arith.constant 0 : i32
        %dma_wait3A_29 = tpu.memref_slice %arg7[%add3A_23, %dma_wait3A] : memref<79x128xi32, #tpu.memory_space<vmem>> -> memref<1x128xi32, #tpu.memory_space<vmem>>
        %dma_wait3A_30 = tpu.memref_squeeze %dma_wait3A_29 : memref<1x128xi32, #tpu.memory_space<vmem>> -> memref<128xi32, #tpu.memory_space<vmem>>
        %dma_wait3A_31 = arith.constant 0 : i32
        %dma_wait3A_32 = arith.constant 0 : i32
        %dma_wait3A_33 = tpu.memref_slice %arg2[%dma_wait3A_31, %dma_wait3A_32] : memref<10112x128xf32, #tpu.memory_space<hbm>> -> memref<10112x128xf32, #tpu.memory_space<hbm>>
        tpu.wait_indirect_dma semaphore(%run_scoped3A : memref<!tpu.dma_semaphore, #tpu.memory_space<semaphore_mem>>) src(%dma_wait3A_33 : memref<10112x128xf32, #tpu.memory_space<hbm>>) dst(%arg9 : memref<128x128xf32, #tpu.memory_space<vmem>>)
        tpu.yield
      }) : () -> ()
      "tpu.region"() ({
        %run_scoped3A = tpu.sem_alloc : memref<!tpu.dma_semaphore, #tpu.memory_space<semaphore_mem>>
        %dma_start3A = arith.constant 0 : i32
        %dma_start3A_24 = tpu.memref_slice %arg8[%add3A_23, %dma_start3A] : memref<79x128xi32, #tpu.memory_space<vmem>> -> memref<1x128xi32, #tpu.memory_space<vmem>>
        %dma_start3A_25 = tpu.memref_squeeze %dma_start3A_24 : memref<1x128xi32, #tpu.memory_space<vmem>> -> memref<128xi32, #tpu.memory_space<vmem>>
        %dma_start3A_26 = arith.constant 0 : i32
        %dma_start3A_27 = arith.constant 0 : i32
        %dma_start3A_28 = tpu.memref_slice %arg10[%dma_start3A_26, %dma_start3A_27] : memref<10112x128xf32, #tpu.memory_space<vmem_shared>> -> memref<10112x128xf32, #tpu.memory_space<vmem_shared>>
        tpu.enqueue_indirect_dma source(%arg9 : memref<128x128xf32, #tpu.memory_space<vmem>>) target(%dma_start3A_28 : memref<10112x128xf32, #tpu.memory_space<vmem_shared>>) offsets(%dma_start3A_25 : memref<128xi32, #tpu.memory_space<vmem>>) semaphore(%run_scoped3A : memref<!tpu.dma_semaphore, #tpu.memory_space<semaphore_mem>>) {add = true}
        %dma_wait3A = arith.constant 0 : i32
        %dma_wait3A_29 = tpu.memref_slice %arg8[%add3A_23, %dma_wait3A] : memref<79x128xi32, #tpu.memory_space<vmem>> -> memref<1x128xi32, #tpu.memory_space<vmem>>
        %dma_wait3A_30 = tpu.memref_squeeze %dma_wait3A_29 : memref<1x128xi32, #tpu.memory_space<vmem>> -> memref<128xi32, #tpu.memory_space<vmem>>
        %dma_wait3A_31 = arith.constant 0 : i32
        %dma_wait3A_32 = arith.constant 0 : i32
        %dma_wait3A_33 = tpu.memref_slice %arg10[%dma_wait3A_31, %dma_wait3A_32] : memref<10112x128xf32, #tpu.memory_space<vmem_shared>> -> memref<10112x128xf32, #tpu.memory_space<vmem_shared>>
        tpu.wait_indirect_dma semaphore(%run_scoped3A : memref<!tpu.dma_semaphore, #tpu.memory_space<semaphore_mem>>) src(%arg9 : memref<128x128xf32, #tpu.memory_space<vmem>>) dst(%dma_wait3A_33 : memref<10112x128xf32, #tpu.memory_space<vmem_shared>>)
        tpu.yield
      }) : () -> ()
    }
    %while3A_19 = arith.constant 1 : i32
    scf.for %while3A_21 = %while3A_17 to %while3A_13 step %while3A_19  : i32 {
      %mul3A_22 = arith.muli %while3A_21, %while3A : i32
      %add3A_23 = arith.addi %while3A_10, %mul3A_22 : i32
      "tpu.region"() ({
        %run_scoped3A = tpu.sem_alloc : memref<!tpu.dma_semaphore, #tpu.memory_space<semaphore_mem>>
        %dma_start3A = arith.constant 0 : i32
        %dma_start3A_24 = tpu.memref_slice %arg7[%add3A_23, %dma_start3A] : memref<79x128xi32, #tpu.memory_space<vmem>> -> memref<1x128xi32, #tpu.memory_space<vmem>>
        %dma_start3A_25 = tpu.memref_squeeze %dma_start3A_24 : memref<1x128xi32, #tpu.memory_space<vmem>> -> memref<128xi32, #tpu.memory_space<vmem>>
        %dma_start3A_26 = arith.constant 0 : i32
        %dma_start3A_27 = arith.constant 0 : i32
        %dma_start3A_28 = tpu.memref_slice %arg2[%dma_start3A_26, %dma_start3A_27] : memref<10112x128xf32, #tpu.memory_space<hbm>> -> memref<10112x128xf32, #tpu.memory_space<hbm>>
        tpu.enqueue_indirect_dma source(%dma_start3A_28 : memref<10112x128xf32, #tpu.memory_space<hbm>>) target(%arg9 : memref<128x128xf32, #tpu.memory_space<vmem>>) offsets(%dma_start3A_25 : memref<128xi32, #tpu.memory_space<vmem>>) semaphore(%run_scoped3A : memref<!tpu.dma_semaphore, #tpu.memory_space<semaphore_mem>>)
        %dma_wait3A = arith.constant 0 : i32
        %dma_wait3A_29 = tpu.memref_slice %arg7[%add3A_23, %dma_wait3A] : memref<79x128xi32, #tpu.memory_space<vmem>> -> memref<1x128xi32, #tpu.memory_space<vmem>>
        %dma_wait3A_30 = tpu.memref_squeeze %dma_wait3A_29 : memref<1x128xi32, #tpu.memory_space<vmem>> -> memref<128xi32, #tpu.memory_space<vmem>>
        %dma_wait3A_31 = arith.constant 0 : i32
        %dma_wait3A_32 = arith.constant 0 : i32
        %dma_wait3A_33 = tpu.memref_slice %arg2[%dma_wait3A_31, %dma_wait3A_32] : memref<10112x128xf32, #tpu.memory_space<hbm>> -> memref<10112x128xf32, #tpu.memory_space<hbm>>
        tpu.wait_indirect_dma semaphore(%run_scoped3A : memref<!tpu.dma_semaphore, #tpu.memory_space<semaphore_mem>>) src(%dma_wait3A_33 : memref<10112x128xf32, #tpu.memory_space<hbm>>) dst(%arg9 : memref<128x128xf32, #tpu.memory_space<vmem>>)
        tpu.yield
      }) : () -> ()
      "tpu.region"() ({
        %run_scoped3A = tpu.sem_alloc : memref<!tpu.dma_semaphore, #tpu.memory_space<semaphore_mem>>
        %dma_start3A = arith.constant 0 : i32
        %dma_start3A_24 = tpu.memref_slice %arg8[%add3A_23, %dma_start3A] : memref<79x128xi32, #tpu.memory_space<vmem>> -> memref<1x128xi32, #tpu.memory_space<vmem>>
        %dma_start3A_25 = tpu.memref_squeeze %dma_start3A_24 : memref<1x128xi32, #tpu.memory_space<vmem>> -> memref<128xi32, #tpu.memory_space<vmem>>
        %dma_start3A_26 = arith.constant 0 : i32
        %dma_start3A_27 = arith.constant 0 : i32
        %dma_start3A_28 = tpu.memref_slice %arg10[%dma_start3A_26, %dma_start3A_27] : memref<10112x128xf32, #tpu.memory_space<vmem_shared>> -> memref<10112x128xf32, #tpu.memory_space<vmem_shared>>
        tpu.enqueue_indirect_dma source(%arg9 : memref<128x128xf32, #tpu.memory_space<vmem>>) target(%dma_start3A_28 : memref<10112x128xf32, #tpu.memory_space<vmem_shared>>) offsets(%dma_start3A_25 : memref<128xi32, #tpu.memory_space<vmem>>) semaphore(%run_scoped3A : memref<!tpu.dma_semaphore, #tpu.memory_space<semaphore_mem>>) {add = true}
        %dma_wait3A = arith.constant 0 : i32
        %dma_wait3A_29 = tpu.memref_slice %arg8[%add3A_23, %dma_wait3A] : memref<79x128xi32, #tpu.memory_space<vmem>> -> memref<1x128xi32, #tpu.memory_space<vmem>>
        %dma_wait3A_30 = tpu.memref_squeeze %dma_wait3A_29 : memref<1x128xi32, #tpu.memory_space<vmem>> -> memref<128xi32, #tpu.memory_space<vmem>>
        %dma_wait3A_31 = arith.constant 0 : i32
        %dma_wait3A_32 = arith.constant 0 : i32
        %dma_wait3A_33 = tpu.memref_slice %arg10[%dma_wait3A_31, %dma_wait3A_32] : memref<10112x128xf32, #tpu.memory_space<vmem_shared>> -> memref<10112x128xf32, #tpu.memory_space<vmem_shared>>
        tpu.wait_indirect_dma semaphore(%run_scoped3A : memref<!tpu.dma_semaphore, #tpu.memory_space<semaphore_mem>>) src(%arg9 : memref<128x128xf32, #tpu.memory_space<vmem>>) dst(%dma_wait3A_33 : memref<10112x128xf32, #tpu.memory_space<vmem_shared>>)
        tpu.yield
      }) : () -> ()
    }
    %barrier3A_20 = arith.constant 0 : index
    tpu.barrier barrier_id(%barrier3A_20)
    "tpu.region"() ({
      %run_scoped3A = tpu.sem_alloc : memref<!tpu.dma_semaphore, #tpu.memory_space<semaphore_mem>>
      %dma_start3A = arith.constant 0 : i32
      %dma_start3A_21 = arith.constant 0 : i32
      %dma_start3A_22 = tpu.memref_slice %arg6[%arg0, %dma_start3A, %dma_start3A_21] : memref<2x10112x128xf32, #tpu.memory_space<hbm>> -> memref<1x10112x128xf32, #tpu.memory_space<hbm>>
      %dma_start3A_23 = tpu.memref_squeeze %dma_start3A_22 : memref<1x10112x128xf32, #tpu.memory_space<hbm>> -> memref<10112x128xf32, #tpu.memory_space<hbm>>
      %dma_start3A_24 = arith.constant 0 : i32
      %dma_start3A_25 = tpu.memref_slice %dma_start3A_23[%mul3A_2, %dma_start3A_24] : memref<10112x128xf32, #tpu.memory_space<hbm>> -> memref<632x128xf32, #tpu.memory_space<hbm>>
      %dma_start3A_26 = arith.constant 0 : i32
      %dma_start3A_27 = tpu.memref_slice %arg10[%mul3A_2, %dma_start3A_26] : memref<10112x128xf32, #tpu.memory_space<vmem_shared>> -> memref<632x128xf32, #tpu.memory_space<vmem_shared>>
      tpu.enqueue_dma source(%dma_start3A_27 : memref<632x128xf32, #tpu.memory_space<vmem_shared>>) target(%dma_start3A_25 : memref<632x128xf32, #tpu.memory_space<hbm>>) target_semaphore(%run_scoped3A : memref<!tpu.dma_semaphore, #tpu.memory_space<semaphore_mem>>)
      %dma_wait3A = arith.constant 0 : i32
      %dma_wait3A_28 = arith.constant 0 : i32
      %dma_wait3A_29 = tpu.memref_slice %arg6[%arg0, %dma_wait3A, %dma_wait3A_28] : memref<2x10112x128xf32, #tpu.memory_space<hbm>> -> memref<1x10112x128xf32, #tpu.memory_space<hbm>>
      %dma_wait3A_30 = tpu.memref_squeeze %dma_wait3A_29 : memref<1x10112x128xf32, #tpu.memory_space<hbm>> -> memref<10112x128xf32, #tpu.memory_space<hbm>>
      %dma_wait3A_31 = arith.constant 0 : i32
      %dma_wait3A_32 = tpu.memref_slice %dma_wait3A_30[%mul3A_2, %dma_wait3A_31] : memref<10112x128xf32, #tpu.memory_space<hbm>> -> memref<632x128xf32, #tpu.memory_space<hbm>>
      %dma_wait3A_33 = arith.constant 0 : i32
      %dma_wait3A_34 = tpu.memref_slice %arg10[%mul3A_2, %dma_wait3A_33] : memref<10112x128xf32, #tpu.memory_space<vmem_shared>> -> memref<632x128xf32, #tpu.memory_space<vmem_shared>>
      tpu.wait_dma2 semaphore(%run_scoped3A : memref<!tpu.dma_semaphore, #tpu.memory_space<semaphore_mem>>) src(%dma_wait3A_34 : memref<632x128xf32, #tpu.memory_space<vmem_shared>>) dst(%dma_wait3A_32 : memref<632x128xf32, #tpu.memory_space<hbm>>)
      tpu.yield
    }) : () -> ()
    return
  }
}

#map = affine_map<(d0, d1) -> (0, 0)>
#map1 = affine_map<(d0, d1) -> (0, 0, 0)>
module attributes {stable_mosaic.version = 14 : i64} {
  func.func @_sc_gather_scatter(%arg0: i32, %arg1: i32, %arg2: memref<10112x128xf32, #tpu.memory_space<hbm>>, %arg3: memref<32x79x128xi32, #tpu.memory_space<hbm>>, %arg4: memref<32x79x128xi32, #tpu.memory_space<hbm>>, %arg5: memref<10112x128xf32, #tpu.memory_space<hbm>>, %arg6: memref<2x10112x128xf32, #tpu.memory_space<hbm>>, %arg7: memref<79x128xi32, #tpu.memory_space<vmem>>, %arg8: memref<79x128xi32, #tpu.memory_space<vmem>>, %arg9: memref<128x128xf32, #tpu.memory_space<vmem>>, %arg10: memref<10112x128xf32, #tpu.memory_space<vmem_shared>>) attributes {dimension_semantics = [#tpu.dimension_semantics<core_parallel>, #tpu.dimension_semantics<subcore_parallel>], iteration_bounds = array<i64: 2, 16>, scalar_prefetch = 0 : i64, scratch_operands = 4 : i64, tpu.core_type = #tpu.core_type<sc_vector_subcore>, window_params = [{transform_indices = #map}, {transform_indices = #map1}, {transform_indices = #map1}, {transform_indices = #map}, {transform_indices = #map1}]} {
    %mul3A = arith.constant 2 : i32
    %mul3A_0 = arith.muli %arg1, %mul3A : i32
    %add3A = arith.addi %mul3A_0, %arg0 : i32
    %mul3A_1 = arith.constant 632 : i32
    %mul3A_2 = arith.muli %arg1, %mul3A_1 : i32
    "tpu.region"() ({
      %run_scoped3A = tpu.sem_alloc : memref<!tpu.dma_semaphore, #tpu.memory_space<semaphore_mem>>
      %dma_start3A = arith.constant 0 : i32
      %dma_start3A_21 = tpu.memref_slice %arg10[%mul3A_2, %dma_start3A] : memref<10112x128xf32, #tpu.memory_space<vmem_shared>> -> memref<632x128xf32, #tpu.memory_space<vmem_shared>>
      %dma_start3A_22 = arith.constant 0 : i32
      %dma_start3A_23 = tpu.memref_slice %arg5[%mul3A_2, %dma_start3A_22] : memref<10112x128xf32, #tpu.memory_space<hbm>> -> memref<632x128xf32, #tpu.memory_space<hbm>>
      tpu.enqueue_dma source(%dma_start3A_23 : memref<632x128xf32, #tpu.memory_space<hbm>>) target(%dma_start3A_21 : memref<632x128xf32, #tpu.memory_space<vmem_shared>>) target_semaphore(%run_scoped3A : memref<!tpu.dma_semaphore, #tpu.memory_space<semaphore_mem>>)
      %dma_wait3A = arith.constant 0 : i32
      %dma_wait3A_24 = tpu.memref_slice %arg10[%mul3A_2, %dma_wait3A] : memref<10112x128xf32, #tpu.memory_space<vmem_shared>> -> memref<632x128xf32, #tpu.memory_space<vmem_shared>>
      %dma_wait3A_25 = arith.constant 0 : i32
      %dma_wait3A_26 = tpu.memref_slice %arg5[%mul3A_2, %dma_wait3A_25] : memref<10112x128xf32, #tpu.memory_space<hbm>> -> memref<632x128xf32, #tpu.memory_space<hbm>>
      tpu.wait_dma2 semaphore(%run_scoped3A : memref<!tpu.dma_semaphore, #tpu.memory_space<semaphore_mem>>) src(%dma_wait3A_26 : memref<632x128xf32, #tpu.memory_space<hbm>>) dst(%dma_wait3A_24 : memref<632x128xf32, #tpu.memory_space<vmem_shared>>)
      tpu.yield
    }) : () -> ()
    "tpu.region"() ({
      %run_scoped3A = tpu.sem_alloc : memref<!tpu.dma_semaphore, #tpu.memory_space<semaphore_mem>>
      %dma_start3A = arith.constant 0 : i32
      %dma_start3A_21 = arith.constant 0 : i32
      %dma_start3A_22 = tpu.memref_slice %arg3[%add3A, %dma_start3A, %dma_start3A_21] : memref<32x79x128xi32, #tpu.memory_space<hbm>> -> memref<1x79x128xi32, #tpu.memory_space<hbm>>
      %dma_start3A_23 = tpu.memref_squeeze %dma_start3A_22 : memref<1x79x128xi32, #tpu.memory_space<hbm>> -> memref<79x128xi32, #tpu.memory_space<hbm>>
      %dma_start3A_24 = arith.constant 0 : i32
      %dma_start3A_25 = arith.constant 0 : i32
      %dma_start3A_26 = tpu.memref_slice %arg3[%add3A, %dma_start3A_24, %dma_start3A_25] : memref<32x79x128xi32, #tpu.memory_space<hbm>> -> memref<1x79x128xi32, #tpu.memory_space<hbm>>
      %dma_start3A_27 = tpu.memref_squeeze %dma_start3A_26 : memref<1x79x128xi32, #tpu.memory_space<hbm>> -> memref<79x128xi32, #tpu.memory_space<hbm>>
      tpu.enqueue_dma source(%dma_start3A_27 : memref<79x128xi32, #tpu.memory_space<hbm>>) target(%arg7 : memref<79x128xi32, #tpu.memory_space<vmem>>) target_semaphore(%run_scoped3A : memref<!tpu.dma_semaphore, #tpu.memory_space<semaphore_mem>>)
      %dma_wait3A = arith.constant 0 : i32
      %dma_wait3A_28 = arith.constant 0 : i32
      %dma_wait3A_29 = tpu.memref_slice %arg3[%add3A, %dma_wait3A, %dma_wait3A_28] : memref<32x79x128xi32, #tpu.memory_space<hbm>> -> memref<1x79x128xi32, #tpu.memory_space<hbm>>
      %dma_wait3A_30 = tpu.memref_squeeze %dma_wait3A_29 : memref<1x79x128xi32, #tpu.memory_space<hbm>> -> memref<79x128xi32, #tpu.memory_space<hbm>>
      %dma_wait3A_31 = arith.constant 0 : i32
      %dma_wait3A_32 = arith.constant 0 : i32
      %dma_wait3A_33 = tpu.memref_slice %arg3[%add3A, %dma_wait3A_31, %dma_wait3A_32] : memref<32x79x128xi32, #tpu.memory_space<hbm>> -> memref<1x79x128xi32, #tpu.memory_space<hbm>>
      %dma_wait3A_34 = tpu.memref_squeeze %dma_wait3A_33 : memref<1x79x128xi32, #tpu.memory_space<hbm>> -> memref<79x128xi32, #tpu.memory_space<hbm>>
      tpu.wait_dma2 semaphore(%run_scoped3A : memref<!tpu.dma_semaphore, #tpu.memory_space<semaphore_mem>>) src(%dma_wait3A_34 : memref<79x128xi32, #tpu.memory_space<hbm>>) dst(%arg7 : memref<79x128xi32, #tpu.memory_space<vmem>>)
      tpu.yield
    }) : () -> ()
    "tpu.region"() ({
      %run_scoped3A = tpu.sem_alloc : memref<!tpu.dma_semaphore, #tpu.memory_space<semaphore_mem>>
      %dma_start3A = arith.constant 0 : i32
      %dma_start3A_21 = arith.constant 0 : i32
      %dma_start3A_22 = tpu.memref_slice %arg4[%add3A, %dma_start3A, %dma_start3A_21] : memref<32x79x128xi32, #tpu.memory_space<hbm>> -> memref<1x79x128xi32, #tpu.memory_space<hbm>>
      %dma_start3A_23 = tpu.memref_squeeze %dma_start3A_22 : memref<1x79x128xi32, #tpu.memory_space<hbm>> -> memref<79x128xi32, #tpu.memory_space<hbm>>
      %dma_start3A_24 = arith.constant 0 : i32
      %dma_start3A_25 = arith.constant 0 : i32
      %dma_start3A_26 = tpu.memref_slice %arg4[%add3A, %dma_start3A_24, %dma_start3A_25] : memref<32x79x128xi32, #tpu.memory_space<hbm>> -> memref<1x79x128xi32, #tpu.memory_space<hbm>>
      %dma_start3A_27 = tpu.memref_squeeze %dma_start3A_26 : memref<1x79x128xi32, #tpu.memory_space<hbm>> -> memref<79x128xi32, #tpu.memory_space<hbm>>
      tpu.enqueue_dma source(%dma_start3A_27 : memref<79x128xi32, #tpu.memory_space<hbm>>) target(%arg8 : memref<79x128xi32, #tpu.memory_space<vmem>>) target_semaphore(%run_scoped3A : memref<!tpu.dma_semaphore, #tpu.memory_space<semaphore_mem>>)
      %dma_wait3A = arith.constant 0 : i32
      %dma_wait3A_28 = arith.constant 0 : i32
      %dma_wait3A_29 = tpu.memref_slice %arg4[%add3A, %dma_wait3A, %dma_wait3A_28] : memref<32x79x128xi32, #tpu.memory_space<hbm>> -> memref<1x79x128xi32, #tpu.memory_space<hbm>>
      %dma_wait3A_30 = tpu.memref_squeeze %dma_wait3A_29 : memref<1x79x128xi32, #tpu.memory_space<hbm>> -> memref<79x128xi32, #tpu.memory_space<hbm>>
      %dma_wait3A_31 = arith.constant 0 : i32
      %dma_wait3A_32 = arith.constant 0 : i32
      %dma_wait3A_33 = tpu.memref_slice %arg4[%add3A, %dma_wait3A_31, %dma_wait3A_32] : memref<32x79x128xi32, #tpu.memory_space<hbm>> -> memref<1x79x128xi32, #tpu.memory_space<hbm>>
      %dma_wait3A_34 = tpu.memref_squeeze %dma_wait3A_33 : memref<1x79x128xi32, #tpu.memory_space<hbm>> -> memref<79x128xi32, #tpu.memory_space<hbm>>
      tpu.wait_dma2 semaphore(%run_scoped3A : memref<!tpu.dma_semaphore, #tpu.memory_space<semaphore_mem>>) src(%dma_wait3A_34 : memref<79x128xi32, #tpu.memory_space<hbm>>) dst(%arg8 : memref<79x128xi32, #tpu.memory_space<vmem>>)
      tpu.yield
    }) : () -> ()
    %barrier3A = arith.constant 0 : index
    tpu.barrier barrier_id(%barrier3A)
    %sub3A = arith.constant 79 : i32
    %sub3A_3 = arith.constant 0 : i32
    %sub3A_4 = arith.subi %sub3A, %sub3A_3 : i32
    %sub3A_5 = arith.constant 1 : i32
    %sub3A_6 = arith.constant 1 : i32
    %sub3A_7 = arith.subi %sub3A_5, %sub3A_6 : i32
    %add3A_8 = arith.addi %sub3A_4, %sub3A_7 : i32
    %div3A = arith.constant 1 : i32
    %div3A_9 = arith.divsi %add3A_8, %div3A : i32
    %while3A = arith.constant 1 : i32
    %while3A_10 = arith.constant 0 : i32
    %while3A_11 = arith.constant 0 : i32
    %while3A_12 = arith.subi %div3A_9, %while3A_11 : i32
    %while3A_13 = arith.addi %while3A_11, %while3A_12 : i32
    %while3A_14 = arith.constant 1 : i32
    %while3A_15 = arith.divsi %while3A_12, %while3A_14 : i32
    %while3A_16 = arith.muli %while3A_15, %while3A_14 : i32
    %while3A_17 = arith.addi %while3A_11, %while3A_16 : i32
    %while3A_18 = arith.constant 1 : i32
    scf.for %while3A_21 = %while3A_11 to %while3A_17 step %while3A_18  : i32 {
      %mul3A_22 = arith.muli %while3A_21, %while3A : i32
      %add3A_23 = arith.addi %while3A_10, %mul3A_22 : i32
      "tpu.region"() ({
        %run_scoped3A = tpu.sem_alloc : memref<!tpu.dma_semaphore, #tpu.memory_space<semaphore_mem>>
        %dma_start3A = arith.constant 0 : i32
        %dma_start3A_24 = tpu.memref_slice %arg7[%add3A_23, %dma_start3A] : memref<79x128xi32, #tpu.memory_space<vmem>> -> memref<1x128xi32, #tpu.memory_space<vmem>>
        %dma_start3A_25 = tpu.memref_squeeze %dma_start3A_24 : memref<1x128xi32, #tpu.memory_space<vmem>> -> memref<128xi32, #tpu.memory_space<vmem>>
        %dma_start3A_26 = arith.constant 0 : i32
        %dma_start3A_27 = arith.constant 0 : i32
        %dma_start3A_28 = tpu.memref_slice %arg2[%dma_start3A_26, %dma_start3A_27] : memref<10112x128xf32, #tpu.memory_space<hbm>> -> memref<10112x128xf32, #tpu.memory_space<hbm>>
        tpu.enqueue_indirect_dma source(%dma_start3A_28 : memref<10112x128xf32, #tpu.memory_space<hbm>>) target(%arg9 : memref<128x128xf32, #tpu.memory_space<vmem>>) offsets(%dma_start3A_25 : memref<128xi32, #tpu.memory_space<vmem>>) semaphore(%run_scoped3A : memref<!tpu.dma_semaphore, #tpu.memory_space<semaphore_mem>>)
        %dma_wait3A = arith.constant 0 : i32
        %dma_wait3A_29 = tpu.memref_slice %arg7[%add3A_23, %dma_wait3A] : memref<79x128xi32, #tpu.memory_space<vmem>> -> memref<1x128xi32, #tpu.memory_space<vmem>>
        %dma_wait3A_30 = tpu.memref_squeeze %dma_wait3A_29 : memref<1x128xi32, #tpu.memory_space<vmem>> -> memref<128xi32, #tpu.memory_space<vmem>>
        %dma_wait3A_31 = arith.constant 0 : i32
        %dma_wait3A_32 = arith.constant 0 : i32
        %dma_wait3A_33 = tpu.memref_slice %arg2[%dma_wait3A_31, %dma_wait3A_32] : memref<10112x128xf32, #tpu.memory_space<hbm>> -> memref<10112x128xf32, #tpu.memory_space<hbm>>
        tpu.wait_indirect_dma semaphore(%run_scoped3A : memref<!tpu.dma_semaphore, #tpu.memory_space<semaphore_mem>>) src(%dma_wait3A_33 : memref<10112x128xf32, #tpu.memory_space<hbm>>) dst(%arg9 : memref<128x128xf32, #tpu.memory_space<vmem>>)
        tpu.yield
      }) : () -> ()
      "tpu.region"() ({
        %run_scoped3A = tpu.sem_alloc : memref<!tpu.dma_semaphore, #tpu.memory_space<semaphore_mem>>
        %dma_start3A = arith.constant 0 : i32
        %dma_start3A_24 = tpu.memref_slice %arg8[%add3A_23, %dma_start3A] : memref<79x128xi32, #tpu.memory_space<vmem>> -> memref<1x128xi32, #tpu.memory_space<vmem>>
        %dma_start3A_25 = tpu.memref_squeeze %dma_start3A_24 : memref<1x128xi32, #tpu.memory_space<vmem>> -> memref<128xi32, #tpu.memory_space<vmem>>
        %dma_start3A_26 = arith.constant 0 : i32
        %dma_start3A_27 = arith.constant 0 : i32
        %dma_start3A_28 = tpu.memref_slice %arg10[%dma_start3A_26, %dma_start3A_27] : memref<10112x128xf32, #tpu.memory_space<vmem_shared>> -> memref<10112x128xf32, #tpu.memory_space<vmem_shared>>
        tpu.enqueue_indirect_dma source(%arg9 : memref<128x128xf32, #tpu.memory_space<vmem>>) target(%dma_start3A_28 : memref<10112x128xf32, #tpu.memory_space<vmem_shared>>) offsets(%dma_start3A_25 : memref<128xi32, #tpu.memory_space<vmem>>) semaphore(%run_scoped3A : memref<!tpu.dma_semaphore, #tpu.memory_space<semaphore_mem>>) {add = true}
        %dma_wait3A = arith.constant 0 : i32
        %dma_wait3A_29 = tpu.memref_slice %arg8[%add3A_23, %dma_wait3A] : memref<79x128xi32, #tpu.memory_space<vmem>> -> memref<1x128xi32, #tpu.memory_space<vmem>>
        %dma_wait3A_30 = tpu.memref_squeeze %dma_wait3A_29 : memref<1x128xi32, #tpu.memory_space<vmem>> -> memref<128xi32, #tpu.memory_space<vmem>>
        %dma_wait3A_31 = arith.constant 0 : i32
        %dma_wait3A_32 = arith.constant 0 : i32
        %dma_wait3A_33 = tpu.memref_slice %arg10[%dma_wait3A_31, %dma_wait3A_32] : memref<10112x128xf32, #tpu.memory_space<vmem_shared>> -> memref<10112x128xf32, #tpu.memory_space<vmem_shared>>
        tpu.wait_indirect_dma semaphore(%run_scoped3A : memref<!tpu.dma_semaphore, #tpu.memory_space<semaphore_mem>>) src(%arg9 : memref<128x128xf32, #tpu.memory_space<vmem>>) dst(%dma_wait3A_33 : memref<10112x128xf32, #tpu.memory_space<vmem_shared>>)
        tpu.yield
      }) : () -> ()
    }
    %while3A_19 = arith.constant 1 : i32
    scf.for %while3A_21 = %while3A_17 to %while3A_13 step %while3A_19  : i32 {
      %mul3A_22 = arith.muli %while3A_21, %while3A : i32
      %add3A_23 = arith.addi %while3A_10, %mul3A_22 : i32
      "tpu.region"() ({
        %run_scoped3A = tpu.sem_alloc : memref<!tpu.dma_semaphore, #tpu.memory_space<semaphore_mem>>
        %dma_start3A = arith.constant 0 : i32
        %dma_start3A_24 = tpu.memref_slice %arg7[%add3A_23, %dma_start3A] : memref<79x128xi32, #tpu.memory_space<vmem>> -> memref<1x128xi32, #tpu.memory_space<vmem>>
        %dma_start3A_25 = tpu.memref_squeeze %dma_start3A_24 : memref<1x128xi32, #tpu.memory_space<vmem>> -> memref<128xi32, #tpu.memory_space<vmem>>
        %dma_start3A_26 = arith.constant 0 : i32
        %dma_start3A_27 = arith.constant 0 : i32
        %dma_start3A_28 = tpu.memref_slice %arg2[%dma_start3A_26, %dma_start3A_27] : memref<10112x128xf32, #tpu.memory_space<hbm>> -> memref<10112x128xf32, #tpu.memory_space<hbm>>
        tpu.enqueue_indirect_dma source(%dma_start3A_28 : memref<10112x128xf32, #tpu.memory_space<hbm>>) target(%arg9 : memref<128x128xf32, #tpu.memory_space<vmem>>) offsets(%dma_start3A_25 : memref<128xi32, #tpu.memory_space<vmem>>) semaphore(%run_scoped3A : memref<!tpu.dma_semaphore, #tpu.memory_space<semaphore_mem>>)
        %dma_wait3A = arith.constant 0 : i32
        %dma_wait3A_29 = tpu.memref_slice %arg7[%add3A_23, %dma_wait3A] : memref<79x128xi32, #tpu.memory_space<vmem>> -> memref<1x128xi32, #tpu.memory_space<vmem>>
        %dma_wait3A_30 = tpu.memref_squeeze %dma_wait3A_29 : memref<1x128xi32, #tpu.memory_space<vmem>> -> memref<128xi32, #tpu.memory_space<vmem>>
        %dma_wait3A_31 = arith.constant 0 : i32
        %dma_wait3A_32 = arith.constant 0 : i32
        %dma_wait3A_33 = tpu.memref_slice %arg2[%dma_wait3A_31, %dma_wait3A_32] : memref<10112x128xf32, #tpu.memory_space<hbm>> -> memref<10112x128xf32, #tpu.memory_space<hbm>>
        tpu.wait_indirect_dma semaphore(%run_scoped3A : memref<!tpu.dma_semaphore, #tpu.memory_space<semaphore_mem>>) src(%dma_wait3A_33 : memref<10112x128xf32, #tpu.memory_space<hbm>>) dst(%arg9 : memref<128x128xf32, #tpu.memory_space<vmem>>)
        tpu.yield
      }) : () -> ()
      "tpu.region"() ({
        %run_scoped3A = tpu.sem_alloc : memref<!tpu.dma_semaphore, #tpu.memory_space<semaphore_mem>>
        %dma_start3A = arith.constant 0 : i32
        %dma_start3A_24 = tpu.memref_slice %arg8[%add3A_23, %dma_start3A] : memref<79x128xi32, #tpu.memory_space<vmem>> -> memref<1x128xi32, #tpu.memory_space<vmem>>
        %dma_start3A_25 = tpu.memref_squeeze %dma_start3A_24 : memref<1x128xi32, #tpu.memory_space<vmem>> -> memref<128xi32, #tpu.memory_space<vmem>>
        %dma_start3A_26 = arith.constant 0 : i32
        %dma_start3A_27 = arith.constant 0 : i32
        %dma_start3A_28 = tpu.memref_slice %arg10[%dma_start3A_26, %dma_start3A_27] : memref<10112x128xf32, #tpu.memory_space<vmem_shared>> -> memref<10112x128xf32, #tpu.memory_space<vmem_shared>>
        tpu.enqueue_indirect_dma source(%arg9 : memref<128x128xf32, #tpu.memory_space<vmem>>) target(%dma_start3A_28 : memref<10112x128xf32, #tpu.memory_space<vmem_shared>>) offsets(%dma_start3A_25 : memref<128xi32, #tpu.memory_space<vmem>>) semaphore(%run_scoped3A : memref<!tpu.dma_semaphore, #tpu.memory_space<semaphore_mem>>) {add = true}
        %dma_wait3A = arith.constant 0 : i32
        %dma_wait3A_29 = tpu.memref_slice %arg8[%add3A_23, %dma_wait3A] : memref<79x128xi32, #tpu.memory_space<vmem>> -> memref<1x128xi32, #tpu.memory_space<vmem>>
        %dma_wait3A_30 = tpu.memref_squeeze %dma_wait3A_29 : memref<1x128xi32, #tpu.memory_space<vmem>> -> memref<128xi32, #tpu.memory_space<vmem>>
        %dma_wait3A_31 = arith.constant 0 : i32
        %dma_wait3A_32 = arith.constant 0 : i32
        %dma_wait3A_33 = tpu.memref_slice %arg10[%dma_wait3A_31, %dma_wait3A_32] : memref<10112x128xf32, #tpu.memory_space<vmem_shared>> -> memref<10112x128xf32, #tpu.memory_space<vmem_shared>>
        tpu.wait_indirect_dma semaphore(%run_scoped3A : memref<!tpu.dma_semaphore, #tpu.memory_space<semaphore_mem>>) src(%arg9 : memref<128x128xf32, #tpu.memory_space<vmem>>) dst(%dma_wait3A_33 : memref<10112x128xf32, #tpu.memory_space<vmem_shared>>)
        tpu.yield
      }) : () -> ()
    }
    %barrier3A_20 = arith.constant 0 : index
    tpu.barrier barrier_id(%barrier3A_20)
    "tpu.region"() ({
      %run_scoped3A = tpu.sem_alloc : memref<!tpu.dma_semaphore, #tpu.memory_space<semaphore_mem>>
      %dma_start3A = arith.constant 0 : i32
      %dma_start3A_21 = arith.constant 0 : i32
      %dma_start3A_22 = tpu.memref_slice %arg6[%arg0, %dma_start3A, %dma_start3A_21] : memref<2x10112x128xf32, #tpu.memory_space<hbm>> -> memref<1x10112x128xf32, #tpu.memory_space<hbm>>
      %dma_start3A_23 = tpu.memref_squeeze %dma_start3A_22 : memref<1x10112x128xf32, #tpu.memory_space<hbm>> -> memref<10112x128xf32, #tpu.memory_space<hbm>>
      %dma_start3A_24 = arith.constant 0 : i32
      %dma_start3A_25 = tpu.memref_slice %dma_start3A_23[%mul3A_2, %dma_start3A_24] : memref<10112x128xf32, #tpu.memory_space<hbm>> -> memref<632x128xf32, #tpu.memory_space<hbm>>
      %dma_start3A_26 = arith.constant 0 : i32
      %dma_start3A_27 = tpu.memref_slice %arg10[%mul3A_2, %dma_start3A_26] : memref<10112x128xf32, #tpu.memory_space<vmem_shared>> -> memref<632x128xf32, #tpu.memory_space<vmem_shared>>
      tpu.enqueue_dma source(%dma_start3A_27 : memref<632x128xf32, #tpu.memory_space<vmem_shared>>) target(%dma_start3A_25 : memref<632x128xf32, #tpu.memory_space<hbm>>) target_semaphore(%run_scoped3A : memref<!tpu.dma_semaphore, #tpu.memory_space<semaphore_mem>>)
      %dma_wait3A = arith.constant 0 : i32
      %dma_wait3A_28 = arith.constant 0 : i32
      %dma_wait3A_29 = tpu.memref_slice %arg6[%arg0, %dma_wait3A, %dma_wait3A_28] : memref<2x10112x128xf32, #tpu.memory_space<hbm>> -> memref<1x10112x128xf32, #tpu.memory_space<hbm>>
      %dma_wait3A_30 = tpu.memref_squeeze %dma_wait3A_29 : memref<1x10112x128xf32, #tpu.memory_space<hbm>> -> memref<10112x128xf32, #tpu.memory_space<hbm>>
      %dma_wait3A_31 = arith.constant 0 : i32
      %dma_wait3A_32 = tpu.memref_slice %dma_wait3A_30[%mul3A_2, %dma_wait3A_31] : memref<10112x128xf32, #tpu.memory_space<hbm>> -> memref<632x128xf32, #tpu.memory_space<hbm>>
      %dma_wait3A_33 = arith.constant 0 : i32
      %dma_wait3A_34 = tpu.memref_slice %arg10[%mul3A_2, %dma_wait3A_33] : memref<10112x128xf32, #tpu.memory_space<vmem_shared>> -> memref<632x128xf32, #tpu.memory_space<vmem_shared>>
      tpu.wait_dma2 semaphore(%run_scoped3A : memref<!tpu.dma_semaphore, #tpu.memory_space<semaphore_mem>>) src(%dma_wait3A_34 : memref<632x128xf32, #tpu.memory_space<vmem_shared>>) dst(%dma_wait3A_32 : memref<632x128xf32, #tpu.memory_space<hbm>>)
      tpu.yield
    }) : () -> ()
    return
  }
}

module attributes {stable_mosaic.version = 14 : i64} {
  func.func @_tc_ln_matmul(%arg0: memref<10000x128xf32, #tpu.memory_space<vmem>>, %arg1: memref<128xf32, #tpu.memory_space<vmem>>, %arg2: memref<128xf32, #tpu.memory_space<vmem>>, %arg3: memref<128x16xf32, #tpu.memory_space<vmem>>, %arg4: memref<10000x16xf32, #tpu.memory_space<vmem>>) attributes {dimension_semantics = [], scalar_prefetch = 0 : i64, scratch_operands = 0 : i64, tpu.core_type = #tpu.core_type<tc>} {
    %get3A = arith.constant 0 : index
    %get3A_0 = arith.constant 0 : index
    %get3A_1 = vector.load %arg0[%get3A, %get3A_0] : memref<10000x128xf32, #tpu.memory_space<vmem>>, vector<10000x128xf32>
    %reduce_sum3A = arith.constant dense<0.000000e+00> : vector<10000xf32>
    %reduce_sum3A_2 = vector.multi_reduction <add>, %get3A_1, %reduce_sum3A [1] : vector<10000x128xf32> to vector<10000xf32>
    %broadcast_in_dim3A = vector.shape_cast %reduce_sum3A_2 : vector<10000xf32> to vector<10000x1xf32>
    %div3A = arith.constant 1.280000e+02 : f32
    %div3A_3 = vector.broadcast %div3A : f32 to vector<10000x1xf32>
    %div3A_4 = arith.divf %broadcast_in_dim3A, %div3A_3 : vector<10000x1xf32>
    %sub3A = vector.broadcast %div3A_4 : vector<10000x1xf32> to vector<10000x128xf32>
    %sub3A_5 = arith.subf %get3A_1, %sub3A : vector<10000x128xf32>
    %mul3A = arith.mulf %sub3A_5, %sub3A_5 : vector<10000x128xf32>
    %reduce_sum3A_6 = arith.constant dense<0.000000e+00> : vector<10000xf32>
    %reduce_sum3A_7 = vector.multi_reduction <add>, %mul3A, %reduce_sum3A_6 [1] : vector<10000x128xf32> to vector<10000xf32>
    %broadcast_in_dim3A_8 = vector.shape_cast %reduce_sum3A_7 : vector<10000xf32> to vector<10000x1xf32>
    %div3A_9 = arith.constant 1.280000e+02 : f32
    %div3A_10 = vector.broadcast %div3A_9 : f32 to vector<10000x1xf32>
    %div3A_11 = arith.divf %broadcast_in_dim3A_8, %div3A_10 : vector<10000x1xf32>
    %add3A = arith.constant 9.99999974E-6 : f32
    %add3A_12 = vector.broadcast %add3A : f32 to vector<10000x1xf32>
    %add3A_13 = arith.addf %div3A_11, %add3A_12 : vector<10000x1xf32>
    %rsqrt3A = math.rsqrt %add3A_13 : vector<10000x1xf32>
    %mul3A_14 = vector.broadcast %rsqrt3A : vector<10000x1xf32> to vector<10000x128xf32>
    %mul3A_15 = arith.mulf %sub3A_5, %mul3A_14 : vector<10000x128xf32>
    %get3A_16 = arith.constant 0 : index
    %get3A_17 = vector.load %arg1[%get3A_16] : memref<128xf32, #tpu.memory_space<vmem>>, vector<128xf32>
    %broadcast_in_dim3A_18 = vector.shape_cast %get3A_17 : vector<128xf32> to vector<1x128xf32>
    %mul3A_19 = vector.broadcast %broadcast_in_dim3A_18 : vector<1x128xf32> to vector<10000x128xf32>
    %mul3A_20 = arith.mulf %mul3A_15, %mul3A_19 : vector<10000x128xf32>
    %get3A_21 = arith.constant 0 : index
    %get3A_22 = vector.load %arg2[%get3A_21] : memref<128xf32, #tpu.memory_space<vmem>>, vector<128xf32>
    %broadcast_in_dim3A_23 = vector.shape_cast %get3A_22 : vector<128xf32> to vector<1x128xf32>
    %add3A_24 = vector.broadcast %broadcast_in_dim3A_23 : vector<1x128xf32> to vector<10000x128xf32>
    %add3A_25 = arith.addf %mul3A_20, %add3A_24 : vector<10000x128xf32>
    %get3A_26 = arith.constant 0 : index
    %get3A_27 = arith.constant 0 : index
    %get3A_28 = vector.load %arg3[%get3A_26, %get3A_27] : memref<128x16xf32, #tpu.memory_space<vmem>>, vector<128x16xf32>
    %dot_general3A = arith.constant dense<0.000000e+00> : vector<10000x16xf32>
    %dot_general3A_29 = tpu.matmul %add3A_25, %get3A_28, %dot_general3A {dimension_numbers = #tpu.dot_dimension_numbers<[1], [0], [0], [1], [0, 0, 1, 1], [], []>, precision = #tpu.contract_precision<fp32>, transpose_lhs_hint = false} : vector<10000x128xf32>, vector<128x16xf32>, vector<10000x16xf32> -> vector<10000x16xf32>
    %swap3A = arith.constant 0 : index
    %swap3A_30 = arith.constant 0 : index
    %swap3A_31 = vector.load %arg4[%swap3A, %swap3A_30] : memref<10000x16xf32, #tpu.memory_space<vmem>>, vector<10000x16xf32>
    tpu.vector_store %arg4[%swap3A, %swap3A_30], %dot_general3A_29 {strides = array<i32>} : memref<10000x16xf32, #tpu.memory_space<vmem>>, vector<10000x16xf32>,
    return
  }
}

module attributes {stable_mosaic.version = 14 : i64} {
  func.func @_tc_scale(%arg0: memref<10000x16xf32, #tpu.memory_space<vmem>>, %arg1: memref<10000x16xf32, #tpu.memory_space<vmem>>, %arg2: memref<10000x16xf32, #tpu.memory_space<vmem>>, %arg3: memref<10000x16xf32, #tpu.memory_space<vmem>>, %arg4: memref<10000x16xf32, #tpu.memory_space<vmem>>) attributes {dimension_semantics = [], scalar_prefetch = 0 : i64, scratch_operands = 0 : i64, tpu.core_type = #tpu.core_type<tc>} {
    %get3A = arith.constant 0 : index
    %get3A_0 = arith.constant 0 : index
    %get3A_1 = vector.load %arg0[%get3A, %get3A_0] : memref<10000x16xf32, #tpu.memory_space<vmem>>, vector<10000x16xf32>
    %get3A_2 = arith.constant 0 : index
    %get3A_3 = arith.constant 0 : index
    %get3A_4 = vector.load %arg1[%get3A_2, %get3A_3] : memref<10000x16xf32, #tpu.memory_space<vmem>>, vector<10000x16xf32>
    %add3A = arith.addf %get3A_1, %get3A_4 : vector<10000x16xf32>
    %add3A_5 = arith.constant 1.000000e+00 : f32
    %add3A_6 = vector.broadcast %add3A_5 : f32 to vector<10000x16xf32>
    %add3A_7 = arith.addf %add3A, %add3A_6 : vector<10000x16xf32>
    %rsqrt3A = math.rsqrt %add3A_7 : vector<10000x16xf32>
    %swap3A = arith.constant 0 : index
    %swap3A_8 = arith.constant 0 : index
    %swap3A_9 = vector.load %arg3[%swap3A, %swap3A_8] : memref<10000x16xf32, #tpu.memory_space<vmem>>, vector<10000x16xf32>
    tpu.vector_store %arg3[%swap3A, %swap3A_8], %rsqrt3A {strides = array<i32>} : memref<10000x16xf32, #tpu.memory_space<vmem>>, vector<10000x16xf32>,
    %get3A_10 = arith.constant 0 : index
    %get3A_11 = arith.constant 0 : index
    %get3A_12 = vector.load %arg2[%get3A_10, %get3A_11] : memref<10000x16xf32, #tpu.memory_space<vmem>>, vector<10000x16xf32>
    %mul3A = arith.mulf %rsqrt3A, %get3A_12 : vector<10000x16xf32>
    %swap3A_13 = arith.constant 0 : index
    %swap3A_14 = arith.constant 0 : index
    %swap3A_15 = vector.load %arg4[%swap3A_13, %swap3A_14] : memref<10000x16xf32, #tpu.memory_space<vmem>>, vector<10000x16xf32>
    tpu.vector_store %arg4[%swap3A_13, %swap3A_14], %mul3A {strides = array<i32>} : memref<10000x16xf32, #tpu.memory_space<vmem>>, vector<10000x16xf32>,
    return
  }
}

module attributes {stable_mosaic.version = 14 : i64} {
  func.func @_tc_layer2(%arg0: memref<10000x16xf32, #tpu.memory_space<vmem>>, %arg1: memref<10000x16xf32, #tpu.memory_space<vmem>>, %arg2: memref<10000x16xf32, #tpu.memory_space<vmem>>, %arg3: memref<10000x16xf32, #tpu.memory_space<vmem>>, %arg4: memref<16xf32, #tpu.memory_space<vmem>>, %arg5: memref<16x16xf32, #tpu.memory_space<vmem>>, %arg6: memref<10000x16xf32, #tpu.memory_space<vmem>>) attributes {dimension_semantics = [], scalar_prefetch = 0 : i64, scratch_operands = 0 : i64, tpu.core_type = #tpu.core_type<tc>} {
    %get3A = arith.constant 0 : index
    %get3A_0 = arith.constant 0 : index
    %get3A_1 = vector.load %arg3[%get3A, %get3A_0] : memref<10000x16xf32, #tpu.memory_space<vmem>>, vector<10000x16xf32>
    %get3A_2 = arith.constant 0 : index
    %get3A_3 = arith.constant 0 : index
    %get3A_4 = vector.load %arg0[%get3A_2, %get3A_3] : memref<10000x16xf32, #tpu.memory_space<vmem>>, vector<10000x16xf32>
    %get3A_5 = arith.constant 0 : index
    %get3A_6 = arith.constant 0 : index
    %get3A_7 = vector.load %arg1[%get3A_5, %get3A_6] : memref<10000x16xf32, #tpu.memory_space<vmem>>, vector<10000x16xf32>
    %add3A = arith.addf %get3A_4, %get3A_7 : vector<10000x16xf32>
    %get3A_8 = arith.constant 0 : index
    %get3A_9 = arith.constant 0 : index
    %get3A_10 = vector.load %arg2[%get3A_8, %get3A_9] : memref<10000x16xf32, #tpu.memory_space<vmem>>, vector<10000x16xf32>
    %add3A_11 = arith.addf %add3A, %get3A_10 : vector<10000x16xf32>
    %mul3A = arith.mulf %get3A_1, %add3A_11 : vector<10000x16xf32>
    %get3A_12 = arith.constant 0 : index
    %get3A_13 = vector.load %arg4[%get3A_12] : memref<16xf32, #tpu.memory_space<vmem>>, vector<16xf32>
    %broadcast_in_dim3A = vector.shape_cast %get3A_13 : vector<16xf32> to vector<1x16xf32>
    %add3A_14 = vector.broadcast %broadcast_in_dim3A : vector<1x16xf32> to vector<10000x16xf32>
    %add3A_15 = arith.addf %mul3A, %add3A_14 : vector<10000x16xf32>
    %max3A = arith.constant 0.000000e+00 : f32
    %max3A_16 = vector.broadcast %max3A : f32 to vector<10000x16xf32>
    %max3A_17 = arith.maximumf %add3A_15, %max3A_16 : vector<10000x16xf32>
    %get3A_18 = arith.constant 0 : index
    %get3A_19 = arith.constant 0 : index
    %get3A_20 = vector.load %arg5[%get3A_18, %get3A_19] : memref<16x16xf32, #tpu.memory_space<vmem>>, vector<16x16xf32>
    %dot_general3A = arith.constant dense<0.000000e+00> : vector<10000x16xf32>
    %dot_general3A_21 = tpu.matmul %max3A_17, %get3A_20, %dot_general3A {dimension_numbers = #tpu.dot_dimension_numbers<[1], [0], [0], [1], [0, 0, 1, 1], [], []>, precision = #tpu.contract_precision<fp32>, transpose_lhs_hint = false} : vector<10000x16xf32>, vector<16x16xf32>, vector<10000x16xf32> -> vector<10000x16xf32>
    %mul3A_22 = arith.mulf %get3A_1, %dot_general3A_21 : vector<10000x16xf32>
    %swap3A = arith.constant 0 : index
    %swap3A_23 = arith.constant 0 : index
    %swap3A_24 = vector.load %arg6[%swap3A, %swap3A_23] : memref<10000x16xf32, #tpu.memory_space<vmem>>, vector<10000x16xf32>
    tpu.vector_store %arg6[%swap3A, %swap3A_23], %mul3A_22 {strides = array<i32>} : memref<10000x16xf32, #tpu.memory_space<vmem>>, vector<10000x16xf32>,
    return
  }
}

module attributes {stable_mosaic.version = 14 : i64} {
  func.func @_tc_head(%arg0: memref<10000x16xf32, #tpu.memory_space<vmem>>, %arg1: memref<10000x16xf32, #tpu.memory_space<vmem>>, %arg2: memref<10000x16xf32, #tpu.memory_space<vmem>>, %arg3: memref<10000x16xf32, #tpu.memory_space<vmem>>, %arg4: memref<16xf32, #tpu.memory_space<vmem>>, %arg5: memref<1x10000xi32, #tpu.memory_space<vmem>>, %arg6: memref<16x128xf32, #tpu.memory_space<vmem>>, %arg7: memref<128xf32, #tpu.memory_space<vmem>>, %arg8: memref<64x128xf32, #tpu.memory_space<vmem>>) attributes {dimension_semantics = [], scalar_prefetch = 0 : i64, scratch_operands = 0 : i64, tpu.core_type = #tpu.core_type<tc>} {
    %get3A = arith.constant 0 : index
    %get3A_0 = arith.constant 0 : index
    %get3A_1 = vector.load %arg3[%get3A, %get3A_0] : memref<10000x16xf32, #tpu.memory_space<vmem>>, vector<10000x16xf32>
    %get3A_2 = arith.constant 0 : index
    %get3A_3 = arith.constant 0 : index
    %get3A_4 = vector.load %arg0[%get3A_2, %get3A_3] : memref<10000x16xf32, #tpu.memory_space<vmem>>, vector<10000x16xf32>
    %get3A_5 = arith.constant 0 : index
    %get3A_6 = arith.constant 0 : index
    %get3A_7 = vector.load %arg1[%get3A_5, %get3A_6] : memref<10000x16xf32, #tpu.memory_space<vmem>>, vector<10000x16xf32>
    %add3A = arith.addf %get3A_4, %get3A_7 : vector<10000x16xf32>
    %get3A_8 = arith.constant 0 : index
    %get3A_9 = arith.constant 0 : index
    %get3A_10 = vector.load %arg2[%get3A_8, %get3A_9] : memref<10000x16xf32, #tpu.memory_space<vmem>>, vector<10000x16xf32>
    %add3A_11 = arith.addf %add3A, %get3A_10 : vector<10000x16xf32>
    %mul3A = arith.mulf %get3A_1, %add3A_11 : vector<10000x16xf32>
    %get3A_12 = arith.constant 0 : index
    %get3A_13 = vector.load %arg4[%get3A_12] : memref<16xf32, #tpu.memory_space<vmem>>, vector<16xf32>
    %broadcast_in_dim3A = vector.shape_cast %get3A_13 : vector<16xf32> to vector<1x16xf32>
    %add3A_14 = vector.broadcast %broadcast_in_dim3A : vector<1x16xf32> to vector<10000x16xf32>
    %add3A_15 = arith.addf %mul3A, %add3A_14 : vector<10000x16xf32>
    %max3A = arith.constant 0.000000e+00 : f32
    %max3A_16 = vector.broadcast %max3A : f32 to vector<10000x16xf32>
    %max3A_17 = arith.maximumf %add3A_15, %max3A_16 : vector<10000x16xf32>
    %iota3A = tpu.iota {dimensions = array<i32: 0>} : vector<64x10000xi32>
    %get3A_18 = arith.constant 0 : index
    %get3A_19 = arith.constant 0 : index
    %get3A_20 = vector.load %arg5[%get3A_18, %get3A_19] : memref<1x10000xi32, #tpu.memory_space<vmem>>, vector<1x10000xi32>
    %eq3A = vector.broadcast %get3A_20 : vector<1x10000xi32> to vector<64x10000xi32>
    %eq3A_21 = arith.cmpi eq, %iota3A, %eq3A : vector<64x10000xi32>
    %convert_element_type3A = arith.extui %eq3A_21 : vector<64x10000xi1> to vector<64x10000xi32>
    %convert_element_type3A_22 = arith.sitofp %convert_element_type3A : vector<64x10000xi32> to vector<64x10000xf32>
    %dot_general3A = arith.constant dense<0.000000e+00> : vector<64x16xf32>
    %dot_general3A_23 = tpu.matmul %convert_element_type3A_22, %max3A_17, %dot_general3A {dimension_numbers = #tpu.dot_dimension_numbers<[1], [0], [0], [1], [0, 0, 1, 1], [], []>, precision = #tpu.contract_precision<fp32>, transpose_lhs_hint = false} : vector<64x10000xf32>, vector<10000x16xf32>, vector<64x16xf32> -> vector<64x16xf32>
    %reduce_sum3A = arith.constant dense<0.000000e+00> : vector<64xf32>
    %reduce_sum3A_24 = vector.multi_reduction <add>, %convert_element_type3A_22, %reduce_sum3A [1] : vector<64x10000xf32> to vector<64xf32>
    %broadcast_in_dim3A_25 = vector.shape_cast %reduce_sum3A_24 : vector<64xf32> to vector<64x1xf32>
    %max3A_26 = arith.constant 1.000000e+00 : f32
    %max3A_27 = vector.broadcast %max3A_26 : f32 to vector<64x1xf32>
    %max3A_28 = arith.maximumf %broadcast_in_dim3A_25, %max3A_27 : vector<64x1xf32>
    %div3A = vector.broadcast %max3A_28 : vector<64x1xf32> to vector<64x16xf32>
    %div3A_29 = arith.divf %dot_general3A_23, %div3A : vector<64x16xf32>
    %get3A_30 = arith.constant 0 : index
    %get3A_31 = arith.constant 0 : index
    %get3A_32 = vector.load %arg6[%get3A_30, %get3A_31] : memref<16x128xf32, #tpu.memory_space<vmem>>, vector<16x128xf32>
    %dot_general3A_33 = arith.constant dense<0.000000e+00> : vector<64x128xf32>
    %dot_general3A_34 = tpu.matmul %div3A_29, %get3A_32, %dot_general3A_33 {dimension_numbers = #tpu.dot_dimension_numbers<[1], [0], [0], [1], [0, 0, 1, 1], [], []>, precision = #tpu.contract_precision<fp32>, transpose_lhs_hint = false} : vector<64x16xf32>, vector<16x128xf32>, vector<64x128xf32> -> vector<64x128xf32>
    %get3A_35 = arith.constant 0 : index
    %get3A_36 = vector.load %arg7[%get3A_35] : memref<128xf32, #tpu.memory_space<vmem>>, vector<128xf32>
    %broadcast_in_dim3A_37 = vector.shape_cast %get3A_36 : vector<128xf32> to vector<1x128xf32>
    %add3A_38 = vector.broadcast %broadcast_in_dim3A_37 : vector<1x128xf32> to vector<64x128xf32>
    %add3A_39 = arith.addf %dot_general3A_34, %add3A_38 : vector<64x128xf32>
    %swap3A = arith.constant 0 : index
    %swap3A_40 = arith.constant 0 : index
    %swap3A_41 = vector.load %arg8[%swap3A, %swap3A_40] : memref<64x128xf32, #tpu.memory_space<vmem>>, vector<64x128xf32>
    tpu.vector_store %arg8[%swap3A, %swap3A_40], %add3A_39 {strides = array<i32>} : memref<64x128xf32, #tpu.memory_space<vmem>>, vector<64x128xf32>,
    return
  }
}

</mosaic_0001>

<sc_bundles>
// kernel: kernel.12.cloned.1.call-start
scs
__scs_entry_jumppad:
0x0: {  	(pc) =	sbr.rel $0x88, $3  }
0x1: {  	(tag) =	ssettag $0x0;
	lr =	simm.s32 $0x1  }
0x2: {  	[smem:$0x3F96] =	sst lr;
	_ =	strace $0xD0000000  }
0x3: {  	_ = 	snop  }
0x4: {  	_ = 	snop  }
0x5: {  	_ = 	snop  }
0x6: {  	_ = 	snop  }
0x7: {  	_ = 	snop  }
__scs_overlays_trampoline_lowered:
0x8: {  	[smem:$0x3FA5] =	sst s0  }
0x9: {  	[smem:$0x3FA6] =	sst s1  }
0xa: {  	[smem:$0x3FA7] =	sst s2  }
0xb: {  	[smem:$0x3FA8] =	sst s3  }
0xc: {  	[smem:$0x3FA9] =	sst s4  }
0xd: {  	[smem:$0x3FAA] =	sst s5  }
0xe: {  	[smem:$0x3FAB] =	sst s6  }
0xf: {  	[smem:$0x3FAC] =	sst s7  }
0x10: {  	[smem:$0x3FAD] =	sst s8  }
0x11: {  	[smem:$0x3FAE] =	sst s9;
	s0 =	simm.s32 @!p0 $0x0  }
0x12: {  	s1 =	sld [smem:$0x3F94];
	s0 =	simm.s32 @p0 $0x1  }
0x13: {  	[smem:$0x3FAF] =	sst s0;
	s0 =	simm.s32 @!p1 $0x0  }
0x14: {  	s2 =	sld [smem:$0x3F93];
	s0 =	simm.s32 @p1 $0x1  }
0x15: {  	[smem:$0x3FB0] =	sst s0;
	s0 =	simm.s32 @!p2 $0x0  }
0x16: {  	s3 =	sld [smem:$0x3FDB];
	s0 =	simm.s32 @p2 $0x1  }
0x17: {  	s4 =	simm.s32 $0x1BF5;
	[smem:$0x3FB2] =	sst s0  }
0x18: {  	s0 =	sld [smem:$0x3F95];
	_ =	swait.ge [sflag:s4], $0x0  }
0x19: {  	s7 =	sld [smem:$0x3F96]  }
0x1a: {  	s8 =	sadd.s32 $0xFFFFE003, lr  }
0x1b: {  	s9 =	sadd.s32 $0xFFFFFEF7, lr;
	s5 =	simm.s32 $0xFFFFFFFF;
	p2 =	slt.u32 s8, $0xFFFFF086  }
0x1c: {  	p1 =	slt.u32 s9, $0xF7A;
	s5 =	simm.s32 @!p2 $0x0  }
0x1d: {  	s5 =	simm.s32 @p1 $0x1;
	p0 =	seq.s32 s7, s2  }
0x1e: {  	s7 =	smul.u32 @!p0 $0xF7A, s2;
	p2 =	seq.s32 @!p0 s5, $0x0  }
0x1f: {  	s9 =	smul.u32 $0xF7A, s1;
	s8 =	simm.s32 @!p0 $0x1BF5;
	p2 =	por !p2, p0  }
0x20: {  	[sflag:s8] =	ssyncset.s32 @!p0 $0xFFFFF086;
	s6 =	sadd.s32 @!p0 s3, s7;
	s7 =	simm.s32 @!p0 $0x108  }
0x21: {  	s3 =	sadd.s32 s3, s9;
	s6 =	sadd.s32 @!p0 $0x88, s6;
	s7 =	simm.s32 @p2 $0x1082  }
0x22: {  	[simem:s7], [sflag:s8] =	dma.local @!p0 [hbm:s6], $0xF7A  }
0x23: {  	s9 =	sor.u32 $0xD0000000, s2;
	s6 =	simm.s32 $0x108;
	_ =	swait.ge @!p0 [sflag:s8], $0x0  }
0x24: {  	s3 =	sadd.s32 $0x88, s3;
	s6 =	simm.s32 @!p1 $0x1082;
	[sflag:s4] =	ssyncset.s32 $0xFFFFF086  }
0x25: {  	[simem:s6], [sflag:s4] =	dma.local [hbm:s3], $0xF7A  }
0x26: {  	[smem:$0x3F96] =	sst s1;
	(tag) =	ssettag s2;
	_ =	strace s9  }
0x27: {  	s1 =	sld [smem:$0x3FA6]  }
0x28: {  	s2 =	sld [smem:$0x3FA7]  }
0x29: {  	s4 =	sld [smem:$0x3FA9]  }
0x2a: {  	p0 =	seq.s32 s5, $0x0;
	s5 =	sld [smem:$0x3FAA]  }
0x2b: {  	s6 =	sld [smem:$0x3FAB]  }
0x2c: {  	s7 =	sld [smem:$0x3FAC]  }
0x2d: {  	s3 =	simm.s32 $0x108;
	s8 =	sld [smem:$0x3FAD]  }
0x2e: {  	s3 =	simm.s32 @!p0 $0x1082;
	s9 =	sld [smem:$0x3FAE]  }
0x2f: {  	lr =	sadd.s32 s0, s3;
	s0 =	sld [smem:$0x3FA5]  }
0x30: {  	s3 =	sld [smem:$0x3FA8]  }
0x31: {  	[smem:$0x3FB1] =	sst s10  }
0x32: {  	s10 =	sld [smem:$0x3FAF];
	_ =	sdelay $0x3  }
0x33: {  	p0 =	seq.s32 s10, $0x1;
	s10 =	sld [smem:$0x3FB1];
	_ =	sdelay $0x3  }
0x34: {  	[smem:$0x3FB1] =	sst s10  }
0x35: {  	s10 =	sld [smem:$0x3FB0];
	_ =	sdelay $0x3  }
0x36: {  	p1 =	seq.s32 s10, $0x1;
	s10 =	sld [smem:$0x3FB1];
	_ =	sdelay $0x3  }
0x37: {  	[smem:$0x3FB1] =	sst s10  }
0x38: {  	s10 =	sld [smem:$0x3FB2]  }
0x39: {  	_ = 	snop;
	(pc) =	sbr.ind lr, $3  }
0x3a: {  	_ = 	snop  }
0x3b: {  	_ = 	snop  }
0x3c: {  	p2 =	seq.s32 s10, $0x1;
	s10 =	sld [smem:$0x3FB1]  }
0x3d: {  	_ =	shalt  }
0x3e: {  	_ =	shalt  }
0x3f: {  	_ =	shalt  }
0x40: {  	_ =	shalt  }
0x41: {  	_ =	shalt  }
0x42: {  	_ =	shalt  }
0x43: {  	_ =	shalt  }
0x44: {  	_ =	shalt  }
0x45: {  	_ =	shalt  }
0x46: {  	_ =	shalt  }
0x47: {  	_ =	shalt  }
0x48: {  	_ =	shalt  }
0x49: {  	_ =	shalt  }
0x4a: {  	_ =	shalt  }
0x4b: {  	_ =	shalt  }
0x4c: {  	_ =	shalt  }
0x4d: {  	_ =	shalt  }
0x4e: {  	_ =	shalt  }
0x4f: {  	_ =	shalt  }
0x50: {  	_ =	shalt  }
0x51: {  	_ =	shalt  }
0x52: {  	_ =	shalt  }
0x53: {  	_ =	shalt  }
0x54: {  	_ =	shalt  }
0x55: {  	_ =	shalt  }
0x56: {  	_ =	shalt  }
0x57: {  	_ =	shalt  }
0x58: {  	_ =	shalt  }
0x59: {  	_ =	shalt  }
0x5a: {  	_ =	shalt  }
0x5b: {  	_ =	shalt  }
0x5c: {  	_ =	shalt  }
0x5d: {  	_ =	shalt  }
0x5e: {  	_ =	shalt  }
0x5f: {  	_ =	shalt  }
0x60: {  	_ =	shalt  }
0x61: {  	_ =	shalt  }
0x62: {  	_ =	shalt  }
0x63: {  	_ =	shalt  }
0x64: {  	_ =	shalt  }
0x65: {  	_ =	shalt  }
0x66: {  	_ =	shalt  }
0x67: {  	_ =	shalt  }
0x68: {  	_ =	shalt  }
0x69: {  	_ =	shalt  }
0x6a: {  	_ =	shalt  }
0x6b: {  	_ =	shalt  }
0x6c: {  	_ =	shalt  }
0x6d: {  	_ =	shalt  }
0x6e: {  	_ =	shalt  }
0x6f: {  	_ =	shalt  }
0x70: {  	_ =	shalt  }
0x71: {  	_ =	shalt  }
0x72: {  	_ =	shalt  }
0x73: {  	_ =	shalt  }
0x74: {  	_ =	shalt  }
0x75: {  	_ =	shalt  }
0x76: {  	_ =	shalt  }
0x77: {  	_ =	shalt  }
0x78: {  	_ =	shalt  }
0x79: {  	_ =	shalt  }
0x7a: {  	_ =	shalt  }
0x7b: {  	_ =	shalt  }
0x7c: {  	_ =	shalt  }
0x7d: {  	_ =	shalt  }
0x7e: {  	_ =	shalt  }
0x7f: {  	_ =	shalt  }
0x80: {  	_ =	shalt  }
0x81: {  	_ =	shalt  }
0x82: {  	_ =	shalt  }
0x83: {  	_ =	shalt  }
0x84: {  	_ =	shalt  }
0x85: {  	_ =	shalt  }
0x86: {  	_ =	shalt  }
0x87: {  	_ =	shalt  }
.Lfunc_end0:
.L_simem_size_0:
called_computation.1_lowered:
.L_overlay_start_0:
0x88: {  	s2 =	sld [smem:$0x3FD9]  }
0x89: {  	s3 =	sld [smem:$0x3FFE];
	_ =	sdelay $0x1  }
0x8a: {  	s1 =	srdreg.scid  }
0x8b: {  	s0 =	sand.u32 $0x1, s1  }
0x8c: {  	s16 =	sshll.u32 s0, $0xA;
	s2 =	sadd.s32 s3, s2  }
0x8d: {  	s2 =	sadd.s32 s2, s16  }
0x8e: {  	[smem:$0x3FBD] =	sst s2  }
0x8f: {  	_ = 	snop  }
0x90: {  	(tm) =	ssettm $0x1  }
0x91: {  	s17 =	sld [smem:$0x3FFB];
	_ =	sdelay $0x3  }
0x92: {  	_ =	strace s17  }
0x93: {  	s2 =	sld [smem:$0x3FFC];
	_ =	sdelay $0x3  }
0x94: {  	_ =	strace s2  }
0x95: {  	s2 =	sld [smem:$0x3FFD];
	_ =	sdelay $0x3  }
0x96: {  	_ =	strace s2  }
0x97: {  	_ =	strace $0x8FFFFFFF  }
0x98: {  	s18 =	sld [smem:$0x3FDB];
	_ =	sdelay $0x1  }
0x99: {  	s19 =	simm.s32 $_scs_section_size  }
0x9a: {  	s4 =	simm.s32 $_size__tile_overlayer_lowered;
	s5 =	simm.s32 $_tile_overlayer_lowered  }
0x9b: {  	s22 =	simm.s32 $0x1BFF;
	s21 =	sshll.u32 s5, $0x1;
	s2 =	sadd.s32 s19, s18  }
0x9c: {  	s6 =	simm.s32 $0x0;
	s20 =	sshll.u32 s4, $0x1;
	s4 =	sadd.s32 s21, s2  }
0x9d: {  	[timem:s6], [sflag:s22] =	dma.local [hbm:s4], s20  }
0x9e: {  	_ =	swait.ge [sflag:s22], s20  }
0x9f: {  	s3 =	ssub.s32 $0x0, s20;
	[sflag:s22] =	ssyncset.done $0x0  }
0xa0: {  	[sflag:s22] =	ssyncadd.s32 s3;
	_ =	sdelay $0x1  }
0xa1: {  	s23 =	simm.s32 $0x1B8B  }
0xa2: {  	_ =	swait.ge [sflag:s23], $0x1  }
0xa3: {  	[sflag:s23] =	ssyncset.done $0x0  }
0xa4: {  	s25 =	simm.s32 $0x1B8E;
	s24 =	sld [smem:$0x3FFE];
	[sflag:s23] =	ssyncadd.s32 $0xFFFFFFFF  }
0xa5: {  	s26 =	simm.s32 $execute0_lowered;
	[smem:$0x3FD2] =	sst s25  }
0xa6: {  	s4 =	sshll.u32 s26, $0x1;
	_ =	strace $0x80000049;
	[dreg:$0x1] =	wrdreg $0xFFFFFFFF  }
0xa7: {  	s28 =	simm.s32 $_size_execute0_lowered;
	s2 =	sadd.s32 s2, s4;
	[dreg:$0x0] =	wrdreg $0x0  }
0xa8: {  	s4 =	sshll.u32 s28, $0x1;
	[dreg:$0x2] =	wrdreg s2  }
0xa9: {  	[dreg:$0x3] =	wrdreg s4  }
0xaa: {  	[dreg:$0x4] =	wrdreg $0xC0  }
0xab: {  	_ =	task [dreg:s6], $0x5FFFF  }
0xac: {  	[dreg:$0x1] =	wrdreg $0xFFFFFFFF  }
0xad: {  	[dreg:$0x0] =	wrdreg $0x60  }
0xae: {  	[dreg:$0x2] =	wrdreg s24  }
0xaf: {  	[dreg:$0x3] =	wrdreg $0x90000  }
0xb0: {  	[dreg:$0x4] =	wrdreg $0x9  }
0xb1: {  	_ =	task.clear_ibuf [dreg:s6], $0x5FFFF;
	_ =	strace $0x90000049  }
0xb2: {  	s29 =	simm.s32 $0x9;
	_ =	strace $0x8000004B  }
0xb3: {  	_ =	swait.ge [sflag:s29], $0x1  }
0xb4: {  	[sflag:s29] =	ssyncadd.s32 $0xFFFFFFFF  }
0xb5: {  	_ =	strace $0x9000004B  }
0xb6: {  	_ =	sfence  }
0xb7: {  	s30 =	sld [smem:$0x0];
	_ =	sdelay $0x2  }
0xb8: {  	s31 =	sshll.u32 s1, $0xD;
	s1 =	sshrl.u32 s1, $0x2  }
0xb9: {  	s3 =	sand.u32 $0x4000, s31;
	s1 =	sadd.s32 s1, s30  }
0xba: {  	s0 =	sor.u32 s3, s0;
	s1 =	sshll.u32 s1, $0x11  }
0xbb: {  	s0 =	sor.u32 s1, s0  }
0xbc: {  	s0 =	sadd.s32 $0x8F2B, s0  }
0xbd: {  	[sflag:s0] =	ssyncadd.remote.s32 $0x1  }
0xbe: {  	_ =	sfence.sel $0xFFFF  }
0xbf: {  	[dreg:$0x0] =	wrdreg $0xFFFFFFFF;
	(pc) =	sbr.abs _section_cstart, $3  }
0xc0: {  	[dreg:$0x1] =	wrdreg $0xFFFFFFFF  }
0xc1: {  	_ =	task.clear_ibuf [dreg:s6], $0x2FFFF;
	_ =	strace $0x9FFFFFFF  }
0xc2: {  	(tm) =	ssettm $0x7FFFFFFF  }
0xc3: {  	_ =	shalt  }
tec
execute0_lowered:
.L_overlay_start_1:
0x0: {  	(tag) =	ssettag $0x1  }
0x1: {  	s1 =	srdreg.scid;
	s5 =	rddreg [dreg:$0x0]  }
0x2: {  	s0 =	stileid.u32;
	s2 =	rddreg [dreg:$0x1];
	s3 =	simm.s32 $0x0  }
0x3: {  	s14 =	simm.s32 $0x5000;
	s6 =	sand.u32 $0x1, s1;
	s1 =	rddreg [dreg:$0x2]  }
0x4: {  	s28 =	sshll.u32 s0, $0x1;
	[smem:$0x7FF] =	sst s3;
	s15 =	smul.u32 $0x2780, s0  }
0x5: {  	s9 =	smul.u32 $0x4F000, s0;
	s31 =	sshll.u32 s0, $0x6;
	s4 =	sor.u32 s6, s28  }
0x6: {  	_ =	strace $0x8000004A;
	s8 =	smul.u32 $0x27800, s6;
	s6 =	ssub.s32 $0x2, s6  }
0x7: {  	s7 =	smul.u32 $0x500, s4;
	s4 =	sadd.s32 $0x5BA00, s5;
	s29 =	sadd.s32 s15, s5  }
0x8: {  	s11 =	sshrl.u32 s6, $0x1;
	s30 =	sshrl.u32 s9, $0x2;
	s12 =	sadd.s32 s8, s5  }
0x9: {  	s11 =	ssub.s32 s6, s11;
	s13 =	sadd.s32 s30, s2;
	s6 =	sor.u32 $0x1C01, s31  }
0xa: {  	s10 =	sadd.s32 s7, s5;
	s5 =	sadd.s32 $0xD000, s29;
	s16 =	sadd.s32 $0x8E000, s12  }
0xb: {  	s9 =	smax.u32 s11, $0x1;
	s11 =	simm.s32 $0x1;
	s12 =	simm.s32 $0x2800  }
0xc: {  	s7 =	sadd.s32 $0x84000, s10;
	s8 =	sadd.s32 $0x3000, s10;
	s10 =	sshrl.u32 s13, $0x3  }
0xd: {  	s13 =	simm.s32 $0x80;
	s15 =	sadd.s32 s15, s16;
	s16 =	simm.s32 $0x0  }
.LBB2_1:
0xe: {  	[spmem:s10], [sflag:s6] =	dma.local [hbm:s5], $0x2780  }
0xf: {  	_ =	swait.ge [sflag:s11], $0x2780  }
0x10: {  	[sflag:s11] =	ssyncset.done $0x0  }
0x11: {  	[sflag:s11] =	ssyncadd.s32 $0xFFFFD880  }
0x12: {  	[tilespmem:s3], [sflag:$0x1] =	stream.linear.gather [hbm4b:s7+s3], $0x2780, $0x38;
	[tilespmem:$0x1CC00] =	vst v63  }
0x13: {  	_ =	swait.ge [sflag:s11], $0x2780  }
0x14: {  	[sflag:s11] =	ssyncset.done $0x0  }
0x15: {  	[sflag:s11] =	ssyncadd.s32 $0xFFFFD880  }
0x16: {  	[tilespmem:s12], [sflag:$0x1] =	stream.linear.gather [hbm4b:s8+s3], $0x2780, $0x38;
	[tilespmem:$0x1CC00] =	vst v63  }
0x17: {  	_ =	swait.ge [sflag:s11], $0x2780  }
0x18: {  	[sflag:s11] =	ssyncset.done $0x0  }
0x19: {  	[sflag:s11] =	ssyncadd.s32 $0xFFFFD880  }
0x1a: {  	s17 =	simm.s32 $0x0;
	[bflag:$0x0] =	sbarrier.arrive $0xFFFF  }
0x1b: {  	[tilespmem:s14], [sflag:$0x1] =	stream.indirect.gather [hbm4b:s4+s13], $0x80, s17, s13, $0xb8;
	[tilespmem:$0x1CC00] =	vst v63  }
0x1c: {  	_ =	swait.ge [sflag:s11], $0x4000  }
0x1d: {  	[sflag:s11] =	ssyncset.done $0x0  }
0x1e: {  	s31 =	simm.s32 $0x2800;
	[sflag:s11] =	ssyncadd.s32 $0xFFFFC000  }
0x1f: {  	[spmem:s2] =	stream.indirect.scatter.add.f32 [tilespmem:s14], [sflag:$0x1], $0x80, s31, s13, $0xb8;
	[tilespmem:$0x1CC00] =	vst v63  }
0x20: {  	_ =	swait.ge [sflag:s11], $0x4000  }
0x21: {  	s18 =	simm.s32 $0x400;
	s17 =	simm.s32 $0x200;
	[sflag:s11] =	ssyncset.done $0x0  }
.LBB2_2:
0x22: {  	s19 =	sshra.s32 s17, $0x2  }
0x23: {  	[sflag:s11] =	ssyncadd.s32 $0xFFFFC000;
	s17 =	smov.u32 s18;
	s20 =	sadd.s32 $0x200, s18  }
0x24: {  	[tilespmem:s14], [sflag:$0x1] =	stream.indirect.gather [hbm4b:s4+s13], $0x80, s19, s13, $0xb8;
	[tilespmem:$0x1CC00] =	vst v63  }
0x25: {  	p0 =	sne.s32 s18, $0x9C00;
	_ =	swait.ge [sflag:s11], $0x4000  }
.Ltmp0:
0x26: {  	[sflag:s11] =	ssyncset.done $0x0;
	(pc) =	sbr.rel @p0 .LBB2_2-.Ltmp0, $4  }
0x27: {  	s18 =	sadd.s32 $0x2800, s19;
	[sflag:s11] =	ssyncadd.s32 $0xFFFFC000  }
0x28: {  	[spmem:s2] =	stream.indirect.scatter.add.f32 [tilespmem:s14], [sflag:$0x1], $0x80, s18, s13, $0xb8;
	[tilespmem:$0x1CC00] =	vst v63  }
0x29: {  	_ =	swait.ge [sflag:s11], $0x4000  }
0x2a: {  	s18 =	smov.u32 s20;
	[sflag:s11] =	ssyncset.done $0x0  }
0x2b: {  	s17 =	sshra.s32 s17, $0x2;
	[sflag:s11] =	ssyncadd.s32 $0xFFFFC000  }
0x2c: {  	[tilespmem:s14], [sflag:$0x1] =	stream.indirect.gather [hbm4b:s4+s13], $0x80, s17, s13, $0xb8;
	[tilespmem:$0x1CC00] =	vst v63  }
0x2d: {  	_ =	swait.ge [sflag:s11], $0x4000  }
0x2e: {  	[sflag:s11] =	ssyncset.done $0x0  }
0x2f: {  	s17 =	sadd.s32 $0x2800, s17;
	[sflag:s11] =	ssyncadd.s32 $0xFFFFC000  }
0x30: {  	[spmem:s2] =	stream.indirect.scatter.add.f32 [tilespmem:s14], [sflag:$0x1], $0x80, s17, s13, $0xb8;
	[tilespmem:$0x1CC00] =	vst v63  }
0x31: {  	_ =	swait.ge [sflag:s11], $0x4000  }
0x32: {  	s16 =	sadd.s32 $0x1, s16;
	[sflag:s11] =	ssyncset.done $0x0  }
0x33: {  	p0 =	sne.s32 s16, s9;
	[sflag:s11] =	ssyncadd.s32 $0xFFFFC000  }
.Ltmp1:
0x34: {  	[bflag:$0x0] =	sbarrier.arrive $0xFFFF;
	(pc) =	sbr.rel @p0 .LBB2_1-.Ltmp1, $4  }
0x35: {  	[hbm:s15], [sflag:s6] =	dma.local [spmem:s10], $0x2780  }
0x36: {  	_ =	swait.ge [sflag:s11], $0x2780  }
0x37: {  	[sflag:s11] =	ssyncset.done $0x0  }
0x38: {  	[sflag:s11] =	ssyncadd.s32 $0xFFFFD880  }
0x39: {  	_ =	sfence.sel $0x180000  }
0x3a: {  	[bflag:$0x0] =	sbarrier.arrive $0xFFFF  }
0x3b: {  	p0 =	sne.s32 s0, $0x0;
	_ =	strace $0x9000004A  }
0x3c: {  	s0 =	sadd.s32 @!p0 $0x100000, s1;
	[bflag:$0x2] =	sbarrier.arrive $0xFFFF  }
0x3d: {  	[sflag:s0] =	ssyncadd.tile.s32 @!p0 $0x1;
	_ =	shalt  }
.Lfunc_end2:
_tile_overlayer_lowered:
.L_overlay_start_2:
0x3e: {  	(tag) =	ssettag $0x2  }
0x3f: {  	s0 =	rddreg [dreg:$0x0];
	s2 =	stileid.u32  }
0x40: {  	s1 =	rddreg [dreg:$0x1];
	p0 =	sne.s32 s2, $0x0  }
0x41: {  	s3 =	rddreg [dreg:$0x2];
	[bflag:$0x3] =	sbarrier.arrive $0xFFFF;
	s2 =	simm.s32 @!p0 $0x1C01  }
0x42: {  	[timem:s3], [sflag:s2] =	dma.local @!p0 [hbm:s0], s1  }
0x43: {  	s0 =	simm.s32 @!p0 $0x1  }
0x44: {  	_ =	swait.ge @!p0 [sflag:s0], s1  }
0x45: {  	s1 =	ssub.s32 @!p0 $0x0, s1;
	[sflag:s0] =	ssyncset.done @!p0 $0x0  }
0x46: {  	[sflag:s0] =	ssyncadd.s32 @!p0 s1  }
0x47: {  	[bflag:$0x3] =	sbarrier.arrive $0xFFFF  }
0x48: {  	_ =	shalt  }

// kernel: kernel.15.cloned.1.call-start
scs
__scs_entry_jumppad:
0x0: {  	(pc) =	sbr.rel $0x88, $3  }
0x1: {  	(tag) =	ssettag $0x0;
	lr =	simm.s32 $0x1  }
0x2: {  	[smem:$0x3F96] =	sst lr;
	_ =	strace $0xD0000000  }
0x3: {  	_ = 	snop  }
0x4: {  	_ = 	snop  }
0x5: {  	_ = 	snop  }
0x6: {  	_ = 	snop  }
0x7: {  	_ = 	snop  }
__scs_overlays_trampoline_lowered:
0x8: {  	[smem:$0x3FA5] =	sst s0  }
0x9: {  	[smem:$0x3FA6] =	sst s1  }
0xa: {  	[smem:$0x3FA7] =	sst s2  }
0xb: {  	[smem:$0x3FA8] =	sst s3  }
0xc: {  	[smem:$0x3FA9] =	sst s4  }
0xd: {  	[smem:$0x3FAA] =	sst s5  }
0xe: {  	[smem:$0x3FAB] =	sst s6  }
0xf: {  	[smem:$0x3FAC] =	sst s7  }
0x10: {  	[smem:$0x3FAD] =	sst s8  }
0x11: {  	[smem:$0x3FAE] =	sst s9;
	s0 =	simm.s32 @!p0 $0x0  }
0x12: {  	s1 =	sld [smem:$0x3F94];
	s0 =	simm.s32 @p0 $0x1  }
0x13: {  	[smem:$0x3FAF] =	sst s0;
	s0 =	simm.s32 @!p1 $0x0  }
0x14: {  	s2 =	sld [smem:$0x3F93];
	s0 =	simm.s32 @p1 $0x1  }
0x15: {  	[smem:$0x3FB0] =	sst s0;
	s0 =	simm.s32 @!p2 $0x0  }
0x16: {  	s3 =	sld [smem:$0x3FDB];
	s0 =	simm.s32 @p2 $0x1  }
0x17: {  	s4 =	simm.s32 $0x1BF5;
	[smem:$0x3FB2] =	sst s0  }
0x18: {  	s0 =	sld [smem:$0x3F95];
	_ =	swait.ge [sflag:s4], $0x0  }
0x19: {  	s7 =	sld [smem:$0x3F96]  }
0x1a: {  	s8 =	sadd.s32 $0xFFFFE003, lr  }
0x1b: {  	s9 =	sadd.s32 $0xFFFFFEF7, lr;
	s5 =	simm.s32 $0xFFFFFFFF;
	p2 =	slt.u32 s8, $0xFFFFF086  }
0x1c: {  	p1 =	slt.u32 s9, $0xF7A;
	s5 =	simm.s32 @!p2 $0x0  }
0x1d: {  	s5 =	simm.s32 @p1 $0x1;
	p0 =	seq.s32 s7, s2  }
0x1e: {  	s7 =	smul.u32 @!p0 $0xF7A, s2;
	p2 =	seq.s32 @!p0 s5, $0x0  }
0x1f: {  	s9 =	smul.u32 $0xF7A, s1;
	s8 =	simm.s32 @!p0 $0x1BF5;
	p2 =	por !p2, p0  }
0x20: {  	[sflag:s8] =	ssyncset.s32 @!p0 $0xFFFFF086;
	s6 =	sadd.s32 @!p0 s3, s7;
	s7 =	simm.s32 @!p0 $0x108  }
0x21: {  	s3 =	sadd.s32 s3, s9;
	s6 =	sadd.s32 @!p0 $0x88, s6;
	s7 =	simm.s32 @p2 $0x1082  }
0x22: {  	[simem:s7], [sflag:s8] =	dma.local @!p0 [hbm:s6], $0xF7A  }
0x23: {  	s9 =	sor.u32 $0xD0000000, s2;
	s6 =	simm.s32 $0x108;
	_ =	swait.ge @!p0 [sflag:s8], $0x0  }
0x24: {  	s3 =	sadd.s32 $0x88, s3;
	s6 =	simm.s32 @!p1 $0x1082;
	[sflag:s4] =	ssyncset.s32 $0xFFFFF086  }
0x25: {  	[simem:s6], [sflag:s4] =	dma.local [hbm:s3], $0xF7A  }
0x26: {  	[smem:$0x3F96] =	sst s1;
	(tag) =	ssettag s2;
	_ =	strace s9  }
0x27: {  	s1 =	sld [smem:$0x3FA6]  }
0x28: {  	s2 =	sld [smem:$0x3FA7]  }
0x29: {  	s4 =	sld [smem:$0x3FA9]  }
0x2a: {  	p0 =	seq.s32 s5, $0x0;
	s5 =	sld [smem:$0x3FAA]  }
0x2b: {  	s6 =	sld [smem:$0x3FAB]  }
0x2c: {  	s7 =	sld [smem:$0x3FAC]  }
0x2d: {  	s3 =	simm.s32 $0x108;
	s8 =	sld [smem:$0x3FAD]  }
0x2e: {  	s3 =	simm.s32 @!p0 $0x1082;
	s9 =	sld [smem:$0x3FAE]  }
0x2f: {  	lr =	sadd.s32 s0, s3;
	s0 =	sld [smem:$0x3FA5]  }
0x30: {  	s3 =	sld [smem:$0x3FA8]  }
0x31: {  	[smem:$0x3FB1] =	sst s10  }
0x32: {  	s10 =	sld [smem:$0x3FAF];
	_ =	sdelay $0x3  }
0x33: {  	p0 =	seq.s32 s10, $0x1;
	s10 =	sld [smem:$0x3FB1];
	_ =	sdelay $0x3  }
0x34: {  	[smem:$0x3FB1] =	sst s10  }
0x35: {  	s10 =	sld [smem:$0x3FB0];
	_ =	sdelay $0x3  }
0x36: {  	p1 =	seq.s32 s10, $0x1;
	s10 =	sld [smem:$0x3FB1];
	_ =	sdelay $0x3  }
0x37: {  	[smem:$0x3FB1] =	sst s10  }
0x38: {  	s10 =	sld [smem:$0x3FB2]  }
0x39: {  	_ = 	snop;
	(pc) =	sbr.ind lr, $3  }
0x3a: {  	_ = 	snop  }
0x3b: {  	_ = 	snop  }
0x3c: {  	p2 =	seq.s32 s10, $0x1;
	s10 =	sld [smem:$0x3FB1]  }
0x3d: {  	_ =	shalt  }
0x3e: {  	_ =	shalt  }
0x3f: {  	_ =	shalt  }
0x40: {  	_ =	shalt  }
0x41: {  	_ =	shalt  }
0x42: {  	_ =	shalt  }
0x43: {  	_ =	shalt  }
0x44: {  	_ =	shalt  }
0x45: {  	_ =	shalt  }
0x46: {  	_ =	shalt  }
0x47: {  	_ =	shalt  }
0x48: {  	_ =	shalt  }
0x49: {  	_ =	shalt  }
0x4a: {  	_ =	shalt  }
0x4b: {  	_ =	shalt  }
0x4c: {  	_ =	shalt  }
0x4d: {  	_ =	shalt  }
0x4e: {  	_ =	shalt  }
0x4f: {  	_ =	shalt  }
0x50: {  	_ =	shalt  }
0x51: {  	_ =	shalt  }
0x52: {  	_ =	shalt  }
0x53: {  	_ =	shalt  }
0x54: {  	_ =	shalt  }
0x55: {  	_ =	shalt  }
0x56: {  	_ =	shalt  }
0x57: {  	_ =	shalt  }
0x58: {  	_ =	shalt  }
0x59: {  	_ =	shalt  }
0x5a: {  	_ =	shalt  }
0x5b: {  	_ =	shalt  }
0x5c: {  	_ =	shalt  }
0x5d: {  	_ =	shalt  }
0x5e: {  	_ =	shalt  }
0x5f: {  	_ =	shalt  }
0x60: {  	_ =	shalt  }
0x61: {  	_ =	shalt  }
0x62: {  	_ =	shalt  }
0x63: {  	_ =	shalt  }
0x64: {  	_ =	shalt  }
0x65: {  	_ =	shalt  }
0x66: {  	_ =	shalt  }
0x67: {  	_ =	shalt  }
0x68: {  	_ =	shalt  }
0x69: {  	_ =	shalt  }
0x6a: {  	_ =	shalt  }
0x6b: {  	_ =	shalt  }
0x6c: {  	_ =	shalt  }
0x6d: {  	_ =	shalt  }
0x6e: {  	_ =	shalt  }
0x6f: {  	_ =	shalt  }
0x70: {  	_ =	shalt  }
0x71: {  	_ =	shalt  }
0x72: {  	_ =	shalt  }
0x73: {  	_ =	shalt  }
0x74: {  	_ =	shalt  }
0x75: {  	_ =	shalt  }
0x76: {  	_ =	shalt  }
0x77: {  	_ =	shalt  }
0x78: {  	_ =	shalt  }
0x79: {  	_ =	shalt  }
0x7a: {  	_ =	shalt  }
0x7b: {  	_ =	shalt  }
0x7c: {  	_ =	shalt  }
0x7d: {  	_ =	shalt  }
0x7e: {  	_ =	shalt  }
0x7f: {  	_ =	shalt  }
0x80: {  	_ =	shalt  }
0x81: {  	_ =	shalt  }
0x82: {  	_ =	shalt  }
0x83: {  	_ =	shalt  }
0x84: {  	_ =	shalt  }
0x85: {  	_ =	shalt  }
0x86: {  	_ =	shalt  }
0x87: {  	_ =	shalt  }
.Lfunc_end0:
.L_simem_size_0:
called_computation.2_lowered:
.L_overlay_start_0:
0x88: {  	s2 =	sld [smem:$0x3FD9]  }
0x89: {  	s3 =	sld [smem:$0x3FFE];
	_ =	sdelay $0x1  }
0x8a: {  	s1 =	srdreg.scid  }
0x8b: {  	s0 =	sand.u32 $0x1, s1  }
0x8c: {  	s16 =	sshll.u32 s0, $0xA;
	s2 =	sadd.s32 s3, s2  }
0x8d: {  	s2 =	sadd.s32 s2, s16  }
0x8e: {  	[smem:$0x3FBD] =	sst s2  }
0x8f: {  	_ = 	snop  }
0x90: {  	(tm) =	ssettm $0x1  }
0x91: {  	s17 =	sld [smem:$0x3FFB];
	_ =	sdelay $0x3  }
0x92: {  	_ =	strace s17  }
0x93: {  	s2 =	sld [smem:$0x3FFC];
	_ =	sdelay $0x3  }
0x94: {  	_ =	strace s2  }
0x95: {  	s2 =	sld [smem:$0x3FFD];
	_ =	sdelay $0x3  }
0x96: {  	_ =	strace s2  }
0x97: {  	_ =	strace $0x8FFFFFFF  }
0x98: {  	s18 =	sld [smem:$0x3FDB];
	_ =	sdelay $0x1  }
0x99: {  	s19 =	simm.s32 $_scs_section_size  }
0x9a: {  	s4 =	simm.s32 $_size__tile_overlayer_lowered;
	s5 =	simm.s32 $_tile_overlayer_lowered  }
0x9b: {  	s22 =	simm.s32 $0x1BFF;
	s21 =	sshll.u32 s5, $0x1;
	s2 =	sadd.s32 s19, s18  }
0x9c: {  	s6 =	simm.s32 $0x0;
	s20 =	sshll.u32 s4, $0x1;
	s4 =	sadd.s32 s21, s2  }
0x9d: {  	[timem:s6], [sflag:s22] =	dma.local [hbm:s4], s20  }
0x9e: {  	_ =	swait.ge [sflag:s22], s20  }
0x9f: {  	s3 =	ssub.s32 $0x0, s20;
	[sflag:s22] =	ssyncset.done $0x0  }
0xa0: {  	[sflag:s22] =	ssyncadd.s32 s3;
	_ =	sdelay $0x1  }
0xa1: {  	s23 =	simm.s32 $0x1B8B  }
0xa2: {  	_ =	swait.ge [sflag:s23], $0x1  }
0xa3: {  	[sflag:s23] =	ssyncset.done $0x0  }
0xa4: {  	s25 =	simm.s32 $0x1B8E;
	s24 =	sld [smem:$0x3FFE];
	[sflag:s23] =	ssyncadd.s32 $0xFFFFFFFF  }
0xa5: {  	s26 =	simm.s32 $execute0_lowered;
	[smem:$0x3FD2] =	sst s25  }
0xa6: {  	s4 =	sshll.u32 s26, $0x1;
	_ =	strace $0x8000004C;
	[dreg:$0x1] =	wrdreg $0xFFFFFFFF  }
0xa7: {  	s28 =	simm.s32 $_size_execute0_lowered;
	s2 =	sadd.s32 s2, s4;
	[dreg:$0x0] =	wrdreg $0x0  }
0xa8: {  	s4 =	sshll.u32 s28, $0x1;
	[dreg:$0x2] =	wrdreg s2  }
0xa9: {  	[dreg:$0x3] =	wrdreg s4  }
0xaa: {  	[dreg:$0x4] =	wrdreg $0xC0  }
0xab: {  	_ =	task [dreg:s6], $0x5FFFF  }
0xac: {  	[dreg:$0x1] =	wrdreg $0xFFFFFFFF  }
0xad: {  	[dreg:$0x0] =	wrdreg $0x60  }
0xae: {  	[dreg:$0x2] =	wrdreg s24  }
0xaf: {  	[dreg:$0x3] =	wrdreg $0x90000  }
0xb0: {  	[dreg:$0x4] =	wrdreg $0x9  }
0xb1: {  	_ =	task.clear_ibuf [dreg:s6], $0x5FFFF;
	_ =	strace $0x9000004C  }
0xb2: {  	s29 =	simm.s32 $0x9;
	_ =	strace $0x8000004E  }
0xb3: {  	_ =	swait.ge [sflag:s29], $0x1  }
0xb4: {  	[sflag:s29] =	ssyncadd.s32 $0xFFFFFFFF  }
0xb5: {  	_ =	strace $0x9000004E  }
0xb6: {  	_ =	sfence  }
0xb7: {  	s30 =	sld [smem:$0x0];
	_ =	sdelay $0x2  }
0xb8: {  	s31 =	sshll.u32 s1, $0xD;
	s1 =	sshrl.u32 s1, $0x2  }
0xb9: {  	s3 =	sand.u32 $0x4000, s31;
	s1 =	sadd.s32 s1, s30  }
0xba: {  	s0 =	sor.u32 s3, s0;
	s1 =	sshll.u32 s1, $0x11  }
0xbb: {  	s0 =	sor.u32 s1, s0  }
0xbc: {  	s0 =	sadd.s32 $0x8F2B, s0  }
0xbd: {  	[sflag:s0] =	ssyncadd.remote.s32 $0x1  }
0xbe: {  	_ =	sfence.sel $0xFFFF  }
0xbf: {  	[dreg:$0x0] =	wrdreg $0xFFFFFFFF;
	(pc) =	sbr.abs _section_cstart, $3  }
0xc0: {  	[dreg:$0x1] =	wrdreg $0xFFFFFFFF  }
0xc1: {  	_ =	task.clear_ibuf [dreg:s6], $0x2FFFF;
	_ =	strace $0x9FFFFFFF  }
0xc2: {  	(tm) =	ssettm $0x7FFFFFFF  }
0xc3: {  	_ =	shalt  }
tec
execute0_lowered:
.L_overlay_start_1:
0x0: {  	(tag) =	ssettag $0x1  }
0x1: {  	s1 =	srdreg.scid;
	s5 =	rddreg [dreg:$0x0]  }
0x2: {  	s0 =	stileid.u32;
	s2 =	rddreg [dreg:$0x1];
	s3 =	simm.s32 $0x0  }
0x3: {  	s14 =	simm.s32 $0x5000;
	s6 =	sand.u32 $0x1, s1;
	s1 =	rddreg [dreg:$0x2]  }
0x4: {  	s28 =	sshll.u32 s0, $0x1;
	[smem:$0x7FF] =	sst s3;
	s15 =	smul.u32 $0x2780, s0  }
0x5: {  	s9 =	smul.u32 $0x4F000, s0;
	s31 =	sshll.u32 s0, $0x6;
	s4 =	sor.u32 s6, s28  }
0x6: {  	_ =	strace $0x8000004D;
	s8 =	smul.u32 $0x27800, s6;
	s6 =	ssub.s32 $0x2, s6  }
0x7: {  	s7 =	smul.u32 $0x500, s4;
	s4 =	sadd.s32 $0x5BA00, s5;
	s29 =	sadd.s32 s15, s5  }
0x8: {  	s11 =	sshrl.u32 s6, $0x1;
	s30 =	sshrl.u32 s9, $0x2;
	s12 =	sadd.s32 s8, s5  }
0x9: {  	s11 =	ssub.s32 s6, s11;
	s13 =	sadd.s32 s30, s2;
	s6 =	sor.u32 $0x1C01, s31  }
0xa: {  	s10 =	sadd.s32 s7, s5;
	s5 =	sadd.s32 $0xD000, s29;
	s16 =	sadd.s32 $0x8E000, s12  }
0xb: {  	s9 =	smax.u32 s11, $0x1;
	s11 =	simm.s32 $0x1;
	s12 =	simm.s32 $0x2800  }
0xc: {  	s7 =	sadd.s32 $0x84000, s10;
	s8 =	sadd.s32 $0x3000, s10;
	s10 =	sshrl.u32 s13, $0x3  }
0xd: {  	s13 =	simm.s32 $0x80;
	s15 =	sadd.s32 s15, s16;
	s16 =	simm.s32 $0x0  }
.LBB2_1:
0xe: {  	[spmem:s10], [sflag:s6] =	dma.local [hbm:s5], $0x2780  }
0xf: {  	_ =	swait.ge [sflag:s11], $0x2780  }
0x10: {  	[sflag:s11] =	ssyncset.done $0x0  }
0x11: {  	[sflag:s11] =	ssyncadd.s32 $0xFFFFD880  }
0x12: {  	[tilespmem:s3], [sflag:$0x1] =	stream.linear.gather [hbm4b:s7+s3], $0x2780, $0x38;
	[tilespmem:$0x1CC00] =	vst v63  }
0x13: {  	_ =	swait.ge [sflag:s11], $0x2780  }
0x14: {  	[sflag:s11] =	ssyncset.done $0x0  }
0x15: {  	[sflag:s11] =	ssyncadd.s32 $0xFFFFD880  }
0x16: {  	[tilespmem:s12], [sflag:$0x1] =	stream.linear.gather [hbm4b:s8+s3], $0x2780, $0x38;
	[tilespmem:$0x1CC00] =	vst v63  }
0x17: {  	_ =	swait.ge [sflag:s11], $0x2780  }
0x18: {  	[sflag:s11] =	ssyncset.done $0x0  }
0x19: {  	[sflag:s11] =	ssyncadd.s32 $0xFFFFD880  }
0x1a: {  	s17 =	simm.s32 $0x0;
	[bflag:$0x0] =	sbarrier.arrive $0xFFFF  }
0x1b: {  	[tilespmem:s14], [sflag:$0x1] =	stream.indirect.gather [hbm4b:s4+s13], $0x80, s17, s13, $0xb8;
	[tilespmem:$0x1CC00] =	vst v63  }
0x1c: {  	_ =	swait.ge [sflag:s11], $0x4000  }
0x1d: {  	[sflag:s11] =	ssyncset.done $0x0  }
0x1e: {  	s31 =	simm.s32 $0x2800;
	[sflag:s11] =	ssyncadd.s32 $0xFFFFC000  }
0x1f: {  	[spmem:s2] =	stream.indirect.scatter.add.f32 [tilespmem:s14], [sflag:$0x1], $0x80, s31, s13, $0xb8;
	[tilespmem:$0x1CC00] =	vst v63  }
0x20: {  	_ =	swait.ge [sflag:s11], $0x4000  }
0x21: {  	s18 =	simm.s32 $0x400;
	s17 =	simm.s32 $0x200;
	[sflag:s11] =	ssyncset.done $0x0  }
.LBB2_2:
0x22: {  	s19 =	sshra.s32 s17, $0x2  }
0x23: {  	[sflag:s11] =	ssyncadd.s32 $0xFFFFC000;
	s17 =	smov.u32 s18;
	s20 =	sadd.s32 $0x200, s18  }
0x24: {  	[tilespmem:s14], [sflag:$0x1] =	stream.indirect.gather [hbm4b:s4+s13], $0x80, s19, s13, $0xb8;
	[tilespmem:$0x1CC00] =	vst v63  }
0x25: {  	p0 =	sne.s32 s18, $0x9C00;
	_ =	swait.ge [sflag:s11], $0x4000  }
.Ltmp0:
0x26: {  	[sflag:s11] =	ssyncset.done $0x0;
	(pc) =	sbr.rel @p0 .LBB2_2-.Ltmp0, $4  }
0x27: {  	s18 =	sadd.s32 $0x2800, s19;
	[sflag:s11] =	ssyncadd.s32 $0xFFFFC000  }
0x28: {  	[spmem:s2] =	stream.indirect.scatter.add.f32 [tilespmem:s14], [sflag:$0x1], $0x80, s18, s13, $0xb8;
	[tilespmem:$0x1CC00] =	vst v63  }
0x29: {  	_ =	swait.ge [sflag:s11], $0x4000  }
0x2a: {  	s18 =	smov.u32 s20;
	[sflag:s11] =	ssyncset.done $0x0  }
0x2b: {  	s17 =	sshra.s32 s17, $0x2;
	[sflag:s11] =	ssyncadd.s32 $0xFFFFC000  }
0x2c: {  	[tilespmem:s14], [sflag:$0x1] =	stream.indirect.gather [hbm4b:s4+s13], $0x80, s17, s13, $0xb8;
	[tilespmem:$0x1CC00] =	vst v63  }
0x2d: {  	_ =	swait.ge [sflag:s11], $0x4000  }
0x2e: {  	[sflag:s11] =	ssyncset.done $0x0  }
0x2f: {  	s17 =	sadd.s32 $0x2800, s17;
	[sflag:s11] =	ssyncadd.s32 $0xFFFFC000  }
0x30: {  	[spmem:s2] =	stream.indirect.scatter.add.f32 [tilespmem:s14], [sflag:$0x1], $0x80, s17, s13, $0xb8;
	[tilespmem:$0x1CC00] =	vst v63  }
0x31: {  	_ =	swait.ge [sflag:s11], $0x4000  }
0x32: {  	s16 =	sadd.s32 $0x1, s16;
	[sflag:s11] =	ssyncset.done $0x0  }
0x33: {  	p0 =	sne.s32 s16, s9;
	[sflag:s11] =	ssyncadd.s32 $0xFFFFC000  }
.Ltmp1:
0x34: {  	[bflag:$0x0] =	sbarrier.arrive $0xFFFF;
	(pc) =	sbr.rel @p0 .LBB2_1-.Ltmp1, $4  }
0x35: {  	[hbm:s15], [sflag:s6] =	dma.local [spmem:s10], $0x2780  }
0x36: {  	_ =	swait.ge [sflag:s11], $0x2780  }
0x37: {  	[sflag:s11] =	ssyncset.done $0x0  }
0x38: {  	[sflag:s11] =	ssyncadd.s32 $0xFFFFD880  }
0x39: {  	_ =	sfence.sel $0x180000  }
0x3a: {  	[bflag:$0x0] =	sbarrier.arrive $0xFFFF  }
0x3b: {  	p0 =	sne.s32 s0, $0x0;
	_ =	strace $0x9000004D  }
0x3c: {  	s0 =	sadd.s32 @!p0 $0x100000, s1;
	[bflag:$0x2] =	sbarrier.arrive $0xFFFF  }
0x3d: {  	[sflag:s0] =	ssyncadd.tile.s32 @!p0 $0x1;
	_ =	shalt  }
.Lfunc_end2:
_tile_overlayer_lowered:
.L_overlay_start_2:
0x3e: {  	(tag) =	ssettag $0x2  }
0x3f: {  	s0 =	rddreg [dreg:$0x0];
	s2 =	stileid.u32  }
0x40: {  	s1 =	rddreg [dreg:$0x1];
	p0 =	sne.s32 s2, $0x0  }
0x41: {  	s3 =	rddreg [dreg:$0x2];
	[bflag:$0x3] =	sbarrier.arrive $0xFFFF;
	s2 =	simm.s32 @!p0 $0x1C01  }
0x42: {  	[timem:s3], [sflag:s2] =	dma.local @!p0 [hbm:s0], s1  }
0x43: {  	s0 =	simm.s32 @!p0 $0x1  }
0x44: {  	_ =	swait.ge @!p0 [sflag:s0], s1  }
0x45: {  	s1 =	ssub.s32 @!p0 $0x0, s1;
	[sflag:s0] =	ssyncset.done @!p0 $0x0  }
0x46: {  	[sflag:s0] =	ssyncadd.s32 @!p0 s1  }
0x47: {  	[bflag:$0x3] =	sbarrier.arrive $0xFFFF  }
0x48: {  	_ =	shalt  }

// kernel: kernel.9.cloned.1.call-start
scs
__scs_entry_jumppad:
0x0: {  	(pc) =	sbr.rel $0x88, $3  }
0x1: {  	(tag) =	ssettag $0x0;
	lr =	simm.s32 $0x1  }
0x2: {  	[smem:$0x3F96] =	sst lr;
	_ =	strace $0xD0000000  }
0x3: {  	_ = 	snop  }
0x4: {  	_ = 	snop  }
0x5: {  	_ = 	snop  }
0x6: {  	_ = 	snop  }
0x7: {  	_ = 	snop  }
__scs_overlays_trampoline_lowered:
0x8: {  	[smem:$0x3FA5] =	sst s0  }
0x9: {  	[smem:$0x3FA6] =	sst s1  }
0xa: {  	[smem:$0x3FA7] =	sst s2  }
0xb: {  	[smem:$0x3FA8] =	sst s3  }
0xc: {  	[smem:$0x3FA9] =	sst s4  }
0xd: {  	[smem:$0x3FAA] =	sst s5  }
0xe: {  	[smem:$0x3FAB] =	sst s6  }
0xf: {  	[smem:$0x3FAC] =	sst s7  }
0x10: {  	[smem:$0x3FAD] =	sst s8  }
0x11: {  	[smem:$0x3FAE] =	sst s9;
	s0 =	simm.s32 @!p0 $0x0  }
0x12: {  	s1 =	sld [smem:$0x3F94];
	s0 =	simm.s32 @p0 $0x1  }
0x13: {  	[smem:$0x3FAF] =	sst s0;
	s0 =	simm.s32 @!p1 $0x0  }
0x14: {  	s2 =	sld [smem:$0x3F93];
	s0 =	simm.s32 @p1 $0x1  }
0x15: {  	[smem:$0x3FB0] =	sst s0;
	s0 =	simm.s32 @!p2 $0x0  }
0x16: {  	s3 =	sld [smem:$0x3FDB];
	s0 =	simm.s32 @p2 $0x1  }
0x17: {  	s4 =	simm.s32 $0x1BF5;
	[smem:$0x3FB2] =	sst s0  }
0x18: {  	s0 =	sld [smem:$0x3F95];
	_ =	swait.ge [sflag:s4], $0x0  }
0x19: {  	s7 =	sld [smem:$0x3F96]  }
0x1a: {  	s8 =	sadd.s32 $0xFFFFE003, lr  }
0x1b: {  	s9 =	sadd.s32 $0xFFFFFEF7, lr;
	s5 =	simm.s32 $0xFFFFFFFF;
	p2 =	slt.u32 s8, $0xFFFFF086  }
0x1c: {  	p1 =	slt.u32 s9, $0xF7A;
	s5 =	simm.s32 @!p2 $0x0  }
0x1d: {  	s5 =	simm.s32 @p1 $0x1;
	p0 =	seq.s32 s7, s2  }
0x1e: {  	s7 =	smul.u32 @!p0 $0xF7A, s2;
	p2 =	seq.s32 @!p0 s5, $0x0  }
0x1f: {  	s9 =	smul.u32 $0xF7A, s1;
	s8 =	simm.s32 @!p0 $0x1BF5;
	p2 =	por !p2, p0  }
0x20: {  	[sflag:s8] =	ssyncset.s32 @!p0 $0xFFFFF086;
	s6 =	sadd.s32 @!p0 s3, s7;
	s7 =	simm.s32 @!p0 $0x108  }
0x21: {  	s3 =	sadd.s32 s3, s9;
	s6 =	sadd.s32 @!p0 $0x88, s6;
	s7 =	simm.s32 @p2 $0x1082  }
0x22: {  	[simem:s7], [sflag:s8] =	dma.local @!p0 [hbm:s6], $0xF7A  }
0x23: {  	s9 =	sor.u32 $0xD0000000, s2;
	s6 =	simm.s32 $0x108;
	_ =	swait.ge @!p0 [sflag:s8], $0x0  }
0x24: {  	s3 =	sadd.s32 $0x88, s3;
	s6 =	simm.s32 @!p1 $0x1082;
	[sflag:s4] =	ssyncset.s32 $0xFFFFF086  }
0x25: {  	[simem:s6], [sflag:s4] =	dma.local [hbm:s3], $0xF7A  }
0x26: {  	[smem:$0x3F96] =	sst s1;
	(tag) =	ssettag s2;
	_ =	strace s9  }
0x27: {  	s1 =	sld [smem:$0x3FA6]  }
0x28: {  	s2 =	sld [smem:$0x3FA7]  }
0x29: {  	s4 =	sld [smem:$0x3FA9]  }
0x2a: {  	p0 =	seq.s32 s5, $0x0;
	s5 =	sld [smem:$0x3FAA]  }
0x2b: {  	s6 =	sld [smem:$0x3FAB]  }
0x2c: {  	s7 =	sld [smem:$0x3FAC]  }
0x2d: {  	s3 =	simm.s32 $0x108;
	s8 =	sld [smem:$0x3FAD]  }
0x2e: {  	s3 =	simm.s32 @!p0 $0x1082;
	s9 =	sld [smem:$0x3FAE]  }
0x2f: {  	lr =	sadd.s32 s0, s3;
	s0 =	sld [smem:$0x3FA5]  }
0x30: {  	s3 =	sld [smem:$0x3FA8]  }
0x31: {  	[smem:$0x3FB1] =	sst s10  }
0x32: {  	s10 =	sld [smem:$0x3FAF];
	_ =	sdelay $0x3  }
0x33: {  	p0 =	seq.s32 s10, $0x1;
	s10 =	sld [smem:$0x3FB1];
	_ =	sdelay $0x3  }
0x34: {  	[smem:$0x3FB1] =	sst s10  }
0x35: {  	s10 =	sld [smem:$0x3FB0];
	_ =	sdelay $0x3  }
0x36: {  	p1 =	seq.s32 s10, $0x1;
	s10 =	sld [smem:$0x3FB1];
	_ =	sdelay $0x3  }
0x37: {  	[smem:$0x3FB1] =	sst s10  }
0x38: {  	s10 =	sld [smem:$0x3FB2]  }
0x39: {  	_ = 	snop;
	(pc) =	sbr.ind lr, $3  }
0x3a: {  	_ = 	snop  }
0x3b: {  	_ = 	snop  }
0x3c: {  	p2 =	seq.s32 s10, $0x1;
	s10 =	sld [smem:$0x3FB1]  }
0x3d: {  	_ =	shalt  }
0x3e: {  	_ =	shalt  }
0x3f: {  	_ =	shalt  }
0x40: {  	_ =	shalt  }
0x41: {  	_ =	shalt  }
0x42: {  	_ =	shalt  }
0x43: {  	_ =	shalt  }
0x44: {  	_ =	shalt  }
0x45: {  	_ =	shalt  }
0x46: {  	_ =	shalt  }
0x47: {  	_ =	shalt  }
0x48: {  	_ =	shalt  }
0x49: {  	_ =	shalt  }
0x4a: {  	_ =	shalt  }
0x4b: {  	_ =	shalt  }
0x4c: {  	_ =	shalt  }
0x4d: {  	_ =	shalt  }
0x4e: {  	_ =	shalt  }
0x4f: {  	_ =	shalt  }
0x50: {  	_ =	shalt  }
0x51: {  	_ =	shalt  }
0x52: {  	_ =	shalt  }
0x53: {  	_ =	shalt  }
0x54: {  	_ =	shalt  }
0x55: {  	_ =	shalt  }
0x56: {  	_ =	shalt  }
0x57: {  	_ =	shalt  }
0x58: {  	_ =	shalt  }
0x59: {  	_ =	shalt  }
0x5a: {  	_ =	shalt  }
0x5b: {  	_ =	shalt  }
0x5c: {  	_ =	shalt  }
0x5d: {  	_ =	shalt  }
0x5e: {  	_ =	shalt  }
0x5f: {  	_ =	shalt  }
0x60: {  	_ =	shalt  }
0x61: {  	_ =	shalt  }
0x62: {  	_ =	shalt  }
0x63: {  	_ =	shalt  }
0x64: {  	_ =	shalt  }
0x65: {  	_ =	shalt  }
0x66: {  	_ =	shalt  }
0x67: {  	_ =	shalt  }
0x68: {  	_ =	shalt  }
0x69: {  	_ =	shalt  }
0x6a: {  	_ =	shalt  }
0x6b: {  	_ =	shalt  }
0x6c: {  	_ =	shalt  }
0x6d: {  	_ =	shalt  }
0x6e: {  	_ =	shalt  }
0x6f: {  	_ =	shalt  }
0x70: {  	_ =	shalt  }
0x71: {  	_ =	shalt  }
0x72: {  	_ =	shalt  }
0x73: {  	_ =	shalt  }
0x74: {  	_ =	shalt  }
0x75: {  	_ =	shalt  }
0x76: {  	_ =	shalt  }
0x77: {  	_ =	shalt  }
0x78: {  	_ =	shalt  }
0x79: {  	_ =	shalt  }
0x7a: {  	_ =	shalt  }
0x7b: {  	_ =	shalt  }
0x7c: {  	_ =	shalt  }
0x7d: {  	_ =	shalt  }
0x7e: {  	_ =	shalt  }
0x7f: {  	_ =	shalt  }
0x80: {  	_ =	shalt  }
0x81: {  	_ =	shalt  }
0x82: {  	_ =	shalt  }
0x83: {  	_ =	shalt  }
0x84: {  	_ =	shalt  }
0x85: {  	_ =	shalt  }
0x86: {  	_ =	shalt  }
0x87: {  	_ =	shalt  }
.Lfunc_end0:
.L_simem_size_0:
called_computation_lowered:
.L_overlay_start_0:
0x88: {  	s2 =	sld [smem:$0x3FD9]  }
0x89: {  	s3 =	sld [smem:$0x3FFE];
	_ =	sdelay $0x1  }
0x8a: {  	s1 =	srdreg.scid  }
0x8b: {  	s0 =	sand.u32 $0x1, s1  }
0x8c: {  	s16 =	sshll.u32 s0, $0xA;
	s2 =	sadd.s32 s3, s2  }
0x8d: {  	s2 =	sadd.s32 s2, s16  }
0x8e: {  	[smem:$0x3FBD] =	sst s2  }
0x8f: {  	_ = 	snop  }
0x90: {  	(tm) =	ssettm $0x1  }
0x91: {  	s17 =	sld [smem:$0x3FFB];
	_ =	sdelay $0x3  }
0x92: {  	_ =	strace s17  }
0x93: {  	s2 =	sld [smem:$0x3FFC];
	_ =	sdelay $0x3  }
0x94: {  	_ =	strace s2  }
0x95: {  	s2 =	sld [smem:$0x3FFD];
	_ =	sdelay $0x3  }
0x96: {  	_ =	strace s2  }
0x97: {  	_ =	strace $0x8FFFFFFF  }
0x98: {  	s18 =	sld [smem:$0x3FDB];
	_ =	sdelay $0x1  }
0x99: {  	s19 =	simm.s32 $_scs_section_size  }
0x9a: {  	s4 =	simm.s32 $_size__tile_overlayer_lowered;
	s5 =	simm.s32 $_tile_overlayer_lowered  }
0x9b: {  	s22 =	simm.s32 $0x1BFF;
	s21 =	sshll.u32 s5, $0x1;
	s2 =	sadd.s32 s19, s18  }
0x9c: {  	s6 =	simm.s32 $0x0;
	s20 =	sshll.u32 s4, $0x1;
	s4 =	sadd.s32 s21, s2  }
0x9d: {  	[timem:s6], [sflag:s22] =	dma.local [hbm:s4], s20  }
0x9e: {  	_ =	swait.ge [sflag:s22], s20  }
0x9f: {  	s3 =	ssub.s32 $0x0, s20;
	[sflag:s22] =	ssyncset.done $0x0  }
0xa0: {  	[sflag:s22] =	ssyncadd.s32 s3;
	_ =	sdelay $0x1  }
0xa1: {  	s23 =	simm.s32 $0x1B8B  }
0xa2: {  	_ =	swait.ge [sflag:s23], $0x1  }
0xa3: {  	[sflag:s23] =	ssyncset.done $0x0  }
0xa4: {  	s25 =	simm.s32 $0x1B8E;
	s24 =	sld [smem:$0x3FFE];
	[sflag:s23] =	ssyncadd.s32 $0xFFFFFFFF  }
0xa5: {  	s26 =	simm.s32 $execute0_lowered;
	[smem:$0x3FD2] =	sst s25  }
0xa6: {  	s4 =	sshll.u32 s26, $0x1;
	_ =	strace $0x80000046;
	[dreg:$0x1] =	wrdreg $0xFFFFFFFF  }
0xa7: {  	s28 =	simm.s32 $_size_execute0_lowered;
	s2 =	sadd.s32 s2, s4;
	[dreg:$0x0] =	wrdreg $0x0  }
0xa8: {  	s4 =	sshll.u32 s28, $0x1;
	[dreg:$0x2] =	wrdreg s2  }
0xa9: {  	[dreg:$0x3] =	wrdreg s4  }
0xaa: {  	[dreg:$0x4] =	wrdreg $0xC0  }
0xab: {  	_ =	task [dreg:s6], $0x5FFFF  }
0xac: {  	[dreg:$0x1] =	wrdreg $0xFFFFFFFF  }
0xad: {  	[dreg:$0x0] =	wrdreg $0x60  }
0xae: {  	[dreg:$0x2] =	wrdreg s24  }
0xaf: {  	[dreg:$0x3] =	wrdreg $0x68000  }
0xb0: {  	[dreg:$0x4] =	wrdreg $0x9  }
0xb1: {  	_ =	task.clear_ibuf [dreg:s6], $0x5FFFF;
	_ =	strace $0x90000046  }
0xb2: {  	s29 =	simm.s32 $0x9;
	_ =	strace $0x80000048  }
0xb3: {  	_ =	swait.ge [sflag:s29], $0x1  }
0xb4: {  	[sflag:s29] =	ssyncadd.s32 $0xFFFFFFFF  }
0xb5: {  	_ =	strace $0x90000048  }
0xb6: {  	_ =	sfence  }
0xb7: {  	s30 =	sld [smem:$0x0];
	_ =	sdelay $0x2  }
0xb8: {  	s31 =	sshll.u32 s1, $0xD;
	s1 =	sshrl.u32 s1, $0x2  }
0xb9: {  	s3 =	sand.u32 $0x4000, s31;
	s1 =	sadd.s32 s1, s30  }
0xba: {  	s0 =	sor.u32 s3, s0;
	s1 =	sshll.u32 s1, $0x11  }
0xbb: {  	s0 =	sor.u32 s1, s0  }
0xbc: {  	s0 =	sadd.s32 $0x8F2B, s0  }
0xbd: {  	[sflag:s0] =	ssyncadd.remote.s32 $0x1  }
0xbe: {  	_ =	sfence.sel $0xFFFF  }
0xbf: {  	[dreg:$0x0] =	wrdreg $0xFFFFFFFF;
	(pc) =	sbr.abs _section_cstart, $3  }
0xc0: {  	[dreg:$0x1] =	wrdreg $0xFFFFFFFF  }
0xc1: {  	_ =	task.clear_ibuf [dreg:s6], $0x2FFFF;
	_ =	strace $0x9FFFFFFF  }
0xc2: {  	(tm) =	ssettm $0x7FFFFFFF  }
0xc3: {  	_ =	shalt  }
tec
execute0_lowered:
.L_overlay_start_1:
0x0: {  	(tag) =	ssettag $0x1  }
0x1: {  	s1 =	srdreg.scid  }
0x2: {  	s0 =	stileid.u32;
	s5 =	rddreg [dreg:$0x0]  }
0x3: {  	s2 =	rddreg [dreg:$0x1];
	s3 =	simm.s32 $0x0;
	s12 =	simm.s32 $0x80  }
0x4: {  	s6 =	sand.u32 $0x1, s1;
	s1 =	rddreg [dreg:$0x2];
	s13 =	smul.u32 $0x2780, s0  }
0x5: {  	s28 =	sshll.u32 s0, $0x1;
	[smem:$0x7FF] =	sst s3;
	s9 =	smul.u32 $0x4F000, s0  }
0x6: {  	s31 =	sshll.u32 s0, $0x6;
	s4 =	sor.u32 s6, s28;
	s8 =	smul.u32 $0x27800, s6  }
0x7: {  	_ =	strace $0x80000047;
	s6 =	ssub.s32 $0x2, s6;
	s4 =	smul.u32 $0x500, s4  }
0x8: {  	s10 =	sadd.s32 s13, s5;
	s29 =	sshrl.u32 s6, $0x1;
	s30 =	sshrl.u32 s9, $0x2  }
0x9: {  	s8 =	sadd.s32 s8, s5;
	s11 =	ssub.s32 s6, s29;
	s9 =	sadd.s32 s30, s2  }
0xa: {  	s6 =	sor.u32 $0x1C01, s31;
	s7 =	sadd.s32 s4, s5;
	s4 =	sadd.s32 $0x34800, s5  }
0xb: {  	s5 =	sadd.s32 $0xD000, s10;
	s14 =	sadd.s32 $0x35000, s8;
	s8 =	smax.u32 s11, $0x1  }
0xc: {  	s9 =	sshrl.u32 s9, $0x3;
	s10 =	simm.s32 $0x1;
	s11 =	simm.s32 $0x2800  }
0xd: {  	s7 =	sadd.s32 $0x3000, s7;
	s13 =	sadd.s32 s13, s14;
	s14 =	simm.s32 $0x0  }
.LBB2_1:
0xe: {  	[spmem:s9], [sflag:s6] =	dma.local [hbm:s5], $0x2780  }
0xf: {  	_ =	swait.ge [sflag:s10], $0x2780  }
0x10: {  	[sflag:s10] =	ssyncset.done $0x0  }
0x11: {  	[sflag:s10] =	ssyncadd.s32 $0xFFFFD880  }
0x12: {  	[tilespmem:s3], [sflag:$0x1] =	stream.linear.gather [hbm4b:s7+s3], $0x2780, $0x38;
	[tilespmem:$0x1A400] =	vst v63  }
0x13: {  	_ =	swait.ge [sflag:s10], $0x2780  }
0x14: {  	[sflag:s10] =	ssyncset.done $0x0  }
0x15: {  	[sflag:s10] =	ssyncadd.s32 $0xFFFFD880  }
0x16: {  	[tilespmem:s11], [sflag:$0x1] =	stream.linear.gather [hbm4b:s4+s3], $0x4000, $0x38;
	[tilespmem:$0x1A400] =	vst v63  }
0x17: {  	_ =	swait.ge [sflag:s10], $0x4000  }
0x18: {  	[sflag:s10] =	ssyncset.done $0x0  }
0x19: {  	[sflag:s10] =	ssyncadd.s32 $0xFFFFC000  }
0x1a: {  	s15 =	simm.s32 $0x0;
	[bflag:$0x0] =	sbarrier.arrive $0xFFFF  }
0x1b: {  	[spmem:s2] =	stream.indirect.scatter.add.f32 [tilespmem:s11], [sflag:$0x1], $0x80, s15, s12, $0xb8;
	[tilespmem:$0x1A400] =	vst v63  }
0x1c: {  	_ =	swait.ge [sflag:s10], $0x4000  }
0x1d: {  	s15 =	simm.s32 $0x200;
	[sflag:s10] =	ssyncset.done $0x0  }
.LBB2_2:
0x1e: {  	s16 =	sshra.s32 s15, $0x2;
	[sflag:s10] =	ssyncadd.s32 $0xFFFFC000;
	p0 =	sne.s32 s15, $0x9C00  }
0x1f: {  	[spmem:s2] =	stream.indirect.scatter.add.f32 [tilespmem:s11], [sflag:$0x1], $0x80, s16, s12, $0xb8;
	[tilespmem:$0x1A400] =	vst v63  }
.Ltmp0:
0x20: {  	_ = 	snop;
	(pc) =	sbr.rel @p0 .LBB2_2-.Ltmp0, $4  }
0x21: {  	_ = 	snop  }
0x22: {  	s15 =	sadd.s32 $0x200, s15  }
0x23: {  	_ =	swait.ge [sflag:s10], $0x4000  }
0x24: {  	[sflag:s10] =	ssyncset.done $0x0  }
0x25: {  	s14 =	sadd.s32 $0x1, s14  }
0x26: {  	[sflag:s10] =	ssyncadd.s32 $0xFFFFC000;
	p0 =	sne.s32 s14, s8  }
.Ltmp1:
0x27: {  	[bflag:$0x0] =	sbarrier.arrive $0xFFFF;
	(pc) =	sbr.rel @p0 .LBB2_1-.Ltmp1, $4  }
0x28: {  	[hbm:s13], [sflag:s6] =	dma.local [spmem:s9], $0x2780  }
0x29: {  	_ =	swait.ge [sflag:s10], $0x2780  }
0x2a: {  	[sflag:s10] =	ssyncset.done $0x0  }
0x2b: {  	[sflag:s10] =	ssyncadd.s32 $0xFFFFD880  }
0x2c: {  	_ =	sfence.sel $0x180000  }
0x2d: {  	[bflag:$0x0] =	sbarrier.arrive $0xFFFF  }
0x2e: {  	p0 =	sne.s32 s0, $0x0;
	_ =	strace $0x90000047  }
0x2f: {  	s0 =	sadd.s32 @!p0 $0x100000, s1;
	[bflag:$0x2] =	sbarrier.arrive $0xFFFF  }
0x30: {  	[sflag:s0] =	ssyncadd.tile.s32 @!p0 $0x1;
	_ =	shalt  }
.Lfunc_end2:
_tile_overlayer_lowered:
.L_overlay_start_2:
0x31: {  	(tag) =	ssettag $0x2  }
0x32: {  	s0 =	rddreg [dreg:$0x0];
	s2 =	stileid.u32  }
0x33: {  	s1 =	rddreg [dreg:$0x1];
	p0 =	sne.s32 s2, $0x0  }
0x34: {  	s3 =	rddreg [dreg:$0x2];
	[bflag:$0x3] =	sbarrier.arrive $0xFFFF;
	s2 =	simm.s32 @!p0 $0x1C01  }
0x35: {  	[timem:s3], [sflag:s2] =	dma.local @!p0 [hbm:s0], s1  }
0x36: {  	s0 =	simm.s32 @!p0 $0x1  }
0x37: {  	_ =	swait.ge @!p0 [sflag:s0], s1  }
0x38: {  	s1 =	ssub.s32 @!p0 $0x0, s1;
	[sflag:s0] =	ssyncset.done @!p0 $0x0  }
0x39: {  	[sflag:s0] =	ssyncadd.s32 @!p0 s1  }
0x3a: {  	[bflag:$0x3] =	sbarrier.arrive $0xFFFF  }
0x3b: {  	_ =	shalt  }

</sc_bundles>
